<compile_context>
chip_gen: v7x
topology: tpu7x:2x2x1
jax: 0.10.2.dev20260603
libtpu: 0.0.44.dev20260713+nightly
codegen_flags: <defaults>
</compile_context>

<pallas_src>
import math

import jax
import jax.numpy as jnp
from jax import lax
from jax.experimental import pallas as pl
from jax.experimental.pallas import tpu as pltpu
from jax.experimental.pallas import tpu_sc as plsc

VOCAB = 1000000
DIM = 32
RANK = 8
SCALE = 1.0

NUM_CORES = 2
NUM_SUBCORES = 16
NW = NUM_CORES * NUM_SUBCORES
NB = 16384
NL = 50
N_TOK = NB * NL
TOK_PER_W = N_TOK // NW
C = 1600
N_CHUNK = TOK_PER_W // C

W_PIECE = 8192
W_SHIFT = 13
W_VB = 4 * W_PIECE
L_PER = 2


def _merge_detile_body(wt_ref, at_ref, lb_ref, y_ref):
    m = wt_ref[...] + jax.lax.dot_general(
        lb_ref[...], at_ref[...],
        dimension_numbers=(((0,), (0,)), ((), ())),
        preferred_element_type=jnp.float32) * SCALE
    eye = jnp.eye(DIM, dtype=jnp.float32)
    pieces = [
        jax.lax.dot_general(
            m[:, j * W_PIECE:(j + 1) * W_PIECE], eye,
            dimension_numbers=(((0,), (0,)), ((), ())),
            preferred_element_type=jnp.float32)
        for j in range(4)
    ]
    y_ref[...] = jnp.concatenate(pieces, axis=1)


def _merge_detile(wt, at, lb):
    grid = math.ceil(VOCAB / W_VB)
    return pl.pallas_call(
        _merge_detile_body,
        grid=(grid,),
        in_specs=[
            pl.BlockSpec((DIM, W_VB), lambda i: (0, i)),
            pl.BlockSpec((RANK, W_VB), lambda i: (0, i)),
            pl.BlockSpec((RANK, DIM), lambda i: (0, 0)),
        ],
        out_specs=pl.BlockSpec((W_PIECE, 128), lambda i: (i, 0)),
        out_shape=jax.ShapeDtypeStruct((grid * W_PIECE, 128), jnp.float32),
    )(wt, at, lb)


def _retile_body(x_ref, y_ref):
    x = x_ref[...]
    eye = jnp.eye(DIM, dtype=jnp.float32)
    groups = []
    for g in range(L_PER):
        xg = x[g * (NB // 4):(g + 1) * (NB // 4)]
        pieces = [
            jax.lax.dot_general(
                eye, xg[:, j * DIM:(j + 1) * DIM],
                dimension_numbers=(((1,), (1,)), ((), ())),
                preferred_element_type=jnp.float32)
            for j in range(4)
        ]
        groups.append(jnp.concatenate(pieces, axis=1))
    y_ref[...] = jnp.concatenate(groups, axis=0)


def _retile(rows128):
    return pl.pallas_call(
        _retile_body,
        grid=(NL // L_PER,),
        in_specs=[pl.BlockSpec((L_PER * NB // 4, 128), lambda l: (l, 0))],
        out_specs=pl.BlockSpec((L_PER * DIM, NB), lambda l: (l, 0)),
        out_shape=jax.ShapeDtypeStruct((NL * DIM, NB), jnp.float32),
    )(rows128)


def _gather_body(table_hbm, idx_hbm, out_hbm,
                 idx_v0, idx_v1, sw_v0, sw_v1, so_v0, so_v1, w_v0, w_v1,
                 sem_w0, sem_w1, sem_o0, sem_o1):
    wid = lax.axis_index("s") * NUM_CORES + lax.axis_index("c")
    base = wid * TOK_PER_W

    lane = lax.iota(jnp.int32, 16)

    bufs = ((idx_v0, sw_v0, so_v0, w_v0, sem_w0, sem_o0),
            (idx_v1, sw_v1, so_v1, w_v1, sem_w1, sem_o1))

    def start_gathers(ci, b):
        idx_v, sw_v, so_v, w_v, sem_w, _ = bufs[b]
        tok = pl.multiple_of(base + ci * C, C)
        pltpu.sync_copy(idx_hbm.at[pl.ds(tok, C)], idx_v)

        def perm(g):
            off = pl.multiple_of(g * 16, 16)
            v = idx_v[pl.ds(off, 16)]
            rw = v & (W_VB - 1)
            sw_v[pl.ds(off, 16)] = (
                (v - rw) + ((rw & (W_PIECE - 1)) << 2) + (rw >> W_SHIFT))
            t = tok + off + lane
            bb = t // NL
            l = t - bb * NL
            so_v[pl.ds(off, 16)] = (
                l * NB + ((bb & 4095) << 2) + (bb >> 12))

        plsc.parallel_loop(0, C // 16, 1, unroll=4, carry=None)(perm)
        pltpu.make_async_copy(table_hbm.at[sw_v], w_v, sem_w).start()

    def wait_gathers(b):
        _, sw_v, _, w_v, sem_w, _ = bufs[b]
        pltpu.make_async_copy(table_hbm.at[sw_v], w_v, sem_w).wait()

    def start_write(b):
        _, _, so_v, w_v, _, sem_o = bufs[b]
        pltpu.make_async_copy(w_v, out_hbm.at[so_v], sem_o).start()

    def wait_write(b):
        _, _, so_v, w_v, _, sem_o = bufs[b]
        pltpu.make_async_copy(w_v, out_hbm.at[so_v], sem_o).wait()

    start_gathers(0, 0)

    def outer(cj, _):
        for b in (0, 1):
            ci = cj * 2 + b
            wait_gathers(b)
            nb = 1 - b

            @pl.when(ci >= 1)
            def _():
                wait_write(nb)

            @pl.when(ci + 1 < N_CHUNK)
            def _():
                start_gathers(ci + 1, nb)

            start_write(b)
        return 0

    lax.fori_loop(0, N_CHUNK // 2, outer, 0)
    wait_write(1)


@jax.jit
def _lora_embed(table, idx):
    mesh = plsc.VectorSubcoreMesh(core_axis_name="c", subcore_axis_name="s")
    fn = pl.kernel(
        _gather_body,
        out_type=jax.ShapeDtypeStruct((N_TOK, DIM), jnp.float32),
        mesh=mesh,
        compiler_params=pltpu.CompilerParams(
            needs_layout_passes=False, use_tc_tiling_on_sc=False),
        scratch_types=[
            pltpu.VMEM((C,), jnp.int32),
            pltpu.VMEM((C,), jnp.int32),
            pltpu.VMEM((C,), jnp.int32),
            pltpu.VMEM((C,), jnp.int32),
            pltpu.VMEM((C,), jnp.int32),
            pltpu.VMEM((C,), jnp.int32),
            pltpu.VMEM((C, DIM), jnp.float32),
            pltpu.VMEM((C, DIM), jnp.float32),
            pltpu.SemaphoreType.DMA,
            pltpu.SemaphoreType.DMA,
            pltpu.SemaphoreType.DMA,
            pltpu.SemaphoreType.DMA,
        ],
    )
    return fn(table, idx)


def kernel(x, weight, lora_A, lora_B):
    idx = x.reshape(-1).astype(jnp.int32)
    merged = _merge_detile(weight.T, lora_A.T, lora_B)
    table = merged.reshape(-1, DIM)
    rows = _lora_embed(table, idx)
    y2 = _retile(rows.reshape(N_TOK // 4, 128))
    return jnp.transpose(y2.reshape(NL, DIM, NB), (2, 0, 1))

# --- scband reference (transcript-rebuilt; emitter-appended) ---
"""Pipeline reference for scband-embedding-7378753814573 (READ-ONLY COPY).

The authoritative reference and input builder live on the scoring server;
editing this copy changes nothing except your own understanding.
"""

import jax, jax.numpy as jnp
import numpy as np

VOCAB = 1000000
DIM = 32
RANK = 8
ALPHA = 8
B = 16384
L = 50


def setup_inputs(seed: int = 0) -> dict:
    key = jax.random.key(seed)
    k1, k2, k3, k4 = jax.random.split(key, 4)
    x = jax.random.randint(k1, (B, L), 0, VOCAB)
    weight = jax.random.normal(k2, (VOCAB, DIM), dtype=jnp.float32) * (1.0 / np.sqrt(VOCAB))
    lora_A = jax.random.normal(k3, (VOCAB, RANK), dtype=jnp.float32) * 0.02
    lora_B = jax.random.normal(k4, (RANK, DIM), dtype=jnp.float32) * 0.02
    return {"x": x, "weight": weight, "lora_A": lora_A, "lora_B": lora_B}


def reference(x, weight, lora_A, lora_B):
    # LoRA embedding lookup (unmerged path):
    #   x_emb = weight[x]; after_A = lora_A[x]; out = x_emb + (after_A @ lora_B) * scaling
    scaling = ALPHA / RANK
    x_emb = jnp.take(weight, x, axis=0)            # [B, L, DIM] gather
    after_A = jnp.take(lora_A, x, axis=0)          # [B, L, RANK] gather
    out = x_emb + jnp.matmul(after_A, lora_B) * scaling
    return out

if __name__ == "__main__":
    import jax
    _d = setup_inputs()
    print(jax.jit(kernel)(*tuple(_d.values())))

</pallas_src>

<mosaic_0001>
#map = affine_map<(d0, d1) -> (0, 0)>
#map1 = affine_map<(d0, d1) -> (0)>
module attributes {stable_mosaic.version = 14 : i64} {
  func.func @_gather_body(%arg0: i32, %arg1: i32, %arg2: memref<1015808x32xf32, #tpu.memory_space<hbm>>, %arg3: memref<819200xi32, #tpu.memory_space<hbm>>, %arg4: memref<819200x32xf32, #tpu.memory_space<hbm>>, %arg5: memref<1600xi32, #tpu.memory_space<vmem>>, %arg6: memref<1600xi32, #tpu.memory_space<vmem>>, %arg7: memref<1600xi32, #tpu.memory_space<vmem>>, %arg8: memref<1600xi32, #tpu.memory_space<vmem>>, %arg9: memref<1600xi32, #tpu.memory_space<vmem>>, %arg10: memref<1600xi32, #tpu.memory_space<vmem>>, %arg11: memref<1600x32xf32, #tpu.memory_space<vmem>>, %arg12: memref<1600x32xf32, #tpu.memory_space<vmem>>, %arg13: memref<!tpu.dma_semaphore, #tpu.memory_space<semaphore_mem>>, %arg14: memref<!tpu.dma_semaphore, #tpu.memory_space<semaphore_mem>>, %arg15: memref<!tpu.dma_semaphore, #tpu.memory_space<semaphore_mem>>, %arg16: memref<!tpu.dma_semaphore, #tpu.memory_space<semaphore_mem>>) attributes {dimension_semantics = [#tpu.dimension_semantics<core_parallel>, #tpu.dimension_semantics<subcore_parallel>], iteration_bounds = array<i64: 2, 16>, scalar_prefetch = 0 : i64, scratch_operands = 12 : i64, tpu.core_type = #tpu.core_type<sc_vector_subcore>, window_params = [{transform_indices = #map}, {transform_indices = #map1}, {transform_indices = #map}]} {
    %mul3A = arith.constant 2 : i32
    %mul3A_0 = arith.muli %arg1, %mul3A : i32
    %add3A = arith.addi %mul3A_0, %arg0 : i32
    %mul3A_1 = arith.constant 25600 : i32
    %mul3A_2 = arith.muli %add3A, %mul3A_1 : i32
    %iota3A = tpu.iota {dimensions = array<i32: 0>} : vector<16xi32>
    %add3A_3 = arith.constant 0 : i32
    %add3A_4 = arith.addi %mul3A_2, %add3A_3 : i32
    %multiple_of3A = tpu.assume_multiple %add3A_4, 1600 : i32
    "tpu.region"() ({
      %run_scoped3A = tpu.sem_alloc : memref<!tpu.dma_semaphore, #tpu.memory_space<semaphore_mem>>
      %dma_start3A_17 = tpu.memref_slice %arg3[%multiple_of3A] : memref<819200xi32, #tpu.memory_space<hbm>> -> memref<1600xi32, #tpu.memory_space<hbm>>
      %dma_start3A_18 = tpu.memref_slice %arg3[%multiple_of3A] : memref<819200xi32, #tpu.memory_space<hbm>> -> memref<1600xi32, #tpu.memory_space<hbm>>
      tpu.enqueue_dma source(%dma_start3A_18 : memref<1600xi32, #tpu.memory_space<hbm>>) target(%arg5 : memref<1600xi32, #tpu.memory_space<vmem>>) target_semaphore(%run_scoped3A : memref<!tpu.dma_semaphore, #tpu.memory_space<semaphore_mem>>)
      %dma_wait3A_19 = tpu.memref_slice %arg3[%multiple_of3A] : memref<819200xi32, #tpu.memory_space<hbm>> -> memref<1600xi32, #tpu.memory_space<hbm>>
      %dma_wait3A_20 = tpu.memref_slice %arg3[%multiple_of3A] : memref<819200xi32, #tpu.memory_space<hbm>> -> memref<1600xi32, #tpu.memory_space<hbm>>
      tpu.wait_dma2 semaphore(%run_scoped3A : memref<!tpu.dma_semaphore, #tpu.memory_space<semaphore_mem>>) src(%dma_wait3A_20 : memref<1600xi32, #tpu.memory_space<hbm>>) dst(%arg5 : memref<1600xi32, #tpu.memory_space<vmem>>)
      tpu.yield
    }) : () -> ()
    %parallel_loop3A = arith.constant 0 : i32
    %parallel_loop3A_5 = arith.constant 100 : i32
    %parallel_loop3A_6 = arith.constant 1 : i32
    scf.for %parallel_loop3A_17 = %parallel_loop3A to %parallel_loop3A_5 step %parallel_loop3A_6  : i32 {
      %parallel_loop3A_18 = arith.constant 16 : i32
      %parallel_loop3A_19 = arith.muli %parallel_loop3A_17, %parallel_loop3A_18 : i32
      %parallel_loop3A_20 = tpu.assume_multiple %parallel_loop3A_19, 16 : i32
      %parallel_loop3A_21 = arith.index_cast %parallel_loop3A_20 : i32 to index
      %parallel_loop3A_22 = tpu.vector_load %arg5[%parallel_loop3A_21] {strides = array<i32>} : memref<1600xi32, #tpu.memory_space<vmem>>, vector<16xi32>,
      %parallel_loop3A_23 = arith.constant 32767 : i32
      %parallel_loop3A_24 = vector.broadcast %parallel_loop3A_23 : i32 to vector<16xi32>
      %parallel_loop3A_25 = arith.andi %parallel_loop3A_22, %parallel_loop3A_24 : vector<16xi32>
      %parallel_loop3A_26 = arith.subi %parallel_loop3A_22, %parallel_loop3A_25 : vector<16xi32>
      %parallel_loop3A_27 = arith.constant 8191 : i32
      %parallel_loop3A_28 = vector.broadcast %parallel_loop3A_27 : i32 to vector<16xi32>
      %parallel_loop3A_29 = arith.andi %parallel_loop3A_25, %parallel_loop3A_28 : vector<16xi32>
      %parallel_loop3A_30 = arith.constant 2 : i32
      %parallel_loop3A_31 = vector.broadcast %parallel_loop3A_30 : i32 to vector<16xi32>
      %parallel_loop3A_32 = arith.shli %parallel_loop3A_29, %parallel_loop3A_31 : vector<16xi32>
      %parallel_loop3A_33 = arith.addi %parallel_loop3A_26, %parallel_loop3A_32 : vector<16xi32>
      %parallel_loop3A_34 = arith.constant 13 : i32
      %parallel_loop3A_35 = vector.broadcast %parallel_loop3A_34 : i32 to vector<16xi32>
      %parallel_loop3A_36 = arith.shrsi %parallel_loop3A_25, %parallel_loop3A_35 : vector<16xi32>
      %parallel_loop3A_37 = arith.addi %parallel_loop3A_33, %parallel_loop3A_36 : vector<16xi32>
      %parallel_loop3A_38 = arith.index_cast %parallel_loop3A_20 : i32 to index
      %parallel_loop3A_39 = tpu.vector_load %arg7[%parallel_loop3A_38] {strides = array<i32>} : memref<1600xi32, #tpu.memory_space<vmem>>, vector<16xi32>,
      tpu.vector_store %arg7[%parallel_loop3A_38], %parallel_loop3A_37 {strides = array<i32>} : memref<1600xi32, #tpu.memory_space<vmem>>, vector<16xi32>,
      %parallel_loop3A_40 = arith.addi %multiple_of3A, %parallel_loop3A_20 : i32
      %parallel_loop3A_41 = vector.broadcast %parallel_loop3A_40 : i32 to vector<16xi32>
      %parallel_loop3A_42 = arith.addi %parallel_loop3A_41, %iota3A : vector<16xi32>
      %parallel_loop3A_43 = arith.constant 50 : i32
      %parallel_loop3A_44 = vector.broadcast %parallel_loop3A_43 : i32 to vector<16xi32>
      %parallel_loop3A_45 = arith.divsi %parallel_loop3A_42, %parallel_loop3A_44 : vector<16xi32>
      %parallel_loop3A_46 = arith.constant 0 : i32
      %parallel_loop3A_47 = vector.broadcast %parallel_loop3A_46 : i32 to vector<16xi32>
      %parallel_loop3A_48 = arith.cmpi sgt, %parallel_loop3A_42, %parallel_loop3A_47 : vector<16xi32>
      %parallel_loop3A_49 = arith.extui %parallel_loop3A_48 : vector<16xi1> to vector<16xi32>
      %parallel_loop3A_50 = arith.constant 0 : i32
      %parallel_loop3A_51 = vector.broadcast %parallel_loop3A_50 : i32 to vector<16xi32>
      %parallel_loop3A_52 = arith.cmpi slt, %parallel_loop3A_42, %parallel_loop3A_51 : vector<16xi32>
      %parallel_loop3A_53 = arith.extui %parallel_loop3A_52 : vector<16xi1> to vector<16xi32>
      %parallel_loop3A_54 = arith.subi %parallel_loop3A_49, %parallel_loop3A_53 : vector<16xi32>
      %parallel_loop3A_55 = arith.constant 0 : i32
      %parallel_loop3A_56 = arith.cmpi sgt, %parallel_loop3A_43, %parallel_loop3A_55 : i32
      %parallel_loop3A_57 = arith.extui %parallel_loop3A_56 : i1 to i32
      %parallel_loop3A_58 = arith.constant 0 : i32
      %parallel_loop3A_59 = arith.cmpi slt, %parallel_loop3A_43, %parallel_loop3A_58 : i32
      %parallel_loop3A_60 = arith.extui %parallel_loop3A_59 : i1 to i32
      %parallel_loop3A_61 = arith.subi %parallel_loop3A_57, %parallel_loop3A_60 : i32
      %parallel_loop3A_62 = vector.broadcast %parallel_loop3A_61 : i32 to vector<16xi32>
      %parallel_loop3A_63 = arith.cmpi ne, %parallel_loop3A_54, %parallel_loop3A_62 : vector<16xi32>
      %parallel_loop3A_64 = vector.broadcast %parallel_loop3A_43 : i32 to vector<16xi32>
      %parallel_loop3A_65 = arith.remsi %parallel_loop3A_42, %parallel_loop3A_64 : vector<16xi32>
      %parallel_loop3A_66 = arith.constant 0 : i32
      %parallel_loop3A_67 = vector.broadcast %parallel_loop3A_66 : i32 to vector<16xi32>
      %parallel_loop3A_68 = arith.cmpi ne, %parallel_loop3A_65, %parallel_loop3A_67 : vector<16xi32>
      %parallel_loop3A_69 = arith.andi %parallel_loop3A_63, %parallel_loop3A_68 : vector<16xi1>
      %parallel_loop3A_70 = arith.constant 1 : i32
      %parallel_loop3A_71 = vector.broadcast %parallel_loop3A_70 : i32 to vector<16xi32>
      %parallel_loop3A_72 = arith.subi %parallel_loop3A_45, %parallel_loop3A_71 : vector<16xi32>
      %parallel_loop3A_73 = arith.select %parallel_loop3A_69, %parallel_loop3A_72, %parallel_loop3A_45 : vector<16xi1>, vector<16xi32>
      %parallel_loop3A_74 = arith.constant 50 : i32
      %parallel_loop3A_75 = vector.broadcast %parallel_loop3A_74 : i32 to vector<16xi32>
      %parallel_loop3A_76 = arith.muli %parallel_loop3A_73, %parallel_loop3A_75 : vector<16xi32>
      %parallel_loop3A_77 = arith.subi %parallel_loop3A_42, %parallel_loop3A_76 : vector<16xi32>
      %parallel_loop3A_78 = arith.constant 16384 : i32
      %parallel_loop3A_79 = vector.broadcast %parallel_loop3A_78 : i32 to vector<16xi32>
      %parallel_loop3A_80 = arith.muli %parallel_loop3A_77, %parallel_loop3A_79 : vector<16xi32>
      %parallel_loop3A_81 = arith.constant 4095 : i32
      %parallel_loop3A_82 = vector.broadcast %parallel_loop3A_81 : i32 to vector<16xi32>
      %parallel_loop3A_83 = arith.andi %parallel_loop3A_73, %parallel_loop3A_82 : vector<16xi32>
      %parallel_loop3A_84 = arith.constant 2 : i32
      %parallel_loop3A_85 = vector.broadcast %parallel_loop3A_84 : i32 to vector<16xi32>
      %parallel_loop3A_86 = arith.shli %parallel_loop3A_83, %parallel_loop3A_85 : vector<16xi32>
      %parallel_loop3A_87 = arith.addi %parallel_loop3A_80, %parallel_loop3A_86 : vector<16xi32>
      %parallel_loop3A_88 = arith.constant 12 : i32
      %parallel_loop3A_89 = vector.broadcast %parallel_loop3A_88 : i32 to vector<16xi32>
      %parallel_loop3A_90 = arith.shrsi %parallel_loop3A_73, %parallel_loop3A_89 : vector<16xi32>
      %parallel_loop3A_91 = arith.addi %parallel_loop3A_87, %parallel_loop3A_90 : vector<16xi32>
      %parallel_loop3A_92 = arith.index_cast %parallel_loop3A_20 : i32 to index
      %parallel_loop3A_93 = tpu.vector_load %arg9[%parallel_loop3A_92] {strides = array<i32>} : memref<1600xi32, #tpu.memory_space<vmem>>, vector<16xi32>,
      tpu.vector_store %arg9[%parallel_loop3A_92], %parallel_loop3A_91 {strides = array<i32>} : memref<1600xi32, #tpu.memory_space<vmem>>, vector<16xi32>,
    } {sc.loop_unroll_factor = 4 : i64, sc.parallel_access}
    %dma_start3A = arith.constant 0 : i32
    %dma_start3A_7 = arith.constant 0 : i32
    %dma_start3A_8 = tpu.memref_slice %arg2[%dma_start3A, %dma_start3A_7] : memref<1015808x32xf32, #tpu.memory_space<hbm>> -> memref<1015808x32xf32, #tpu.memory_space<hbm>>
    tpu.enqueue_indirect_dma source(%dma_start3A_8 : memref<1015808x32xf32, #tpu.memory_space<hbm>>) target(%arg11 : memref<1600x32xf32, #tpu.memory_space<vmem>>) offsets(%arg7 : memref<1600xi32, #tpu.memory_space<vmem>>) semaphore(%arg13 : memref<!tpu.dma_semaphore, #tpu.memory_space<semaphore_mem>>)
    %scan3A = arith.constant 0 : i32
    %scan3A_9 = arith.constant 0 : i32
    %scan3A_10 = arith.constant 8 : i32
    %scan3A_11 = arith.addi %scan3A_9, %scan3A_10 : i32
    %scan3A_12 = arith.constant 1 : i32
    %scan3A_13 = scf.for %scan3A_17 = %scan3A_9 to %scan3A_11 step %scan3A_12 iter_args(%scan3A_18 = %scan3A) -> (i32)  : i32 {
      %mul3A_19 = arith.constant 2 : i32
      %mul3A_20 = arith.muli %scan3A_17, %mul3A_19 : i32
      %add3A_21 = arith.constant 0 : i32
      %add3A_22 = arith.addi %mul3A_20, %add3A_21 : i32
      %dma_wait3A_23 = arith.constant 0 : i32
      %dma_wait3A_24 = arith.constant 0 : i32
      %dma_wait3A_25 = tpu.memref_slice %arg2[%dma_wait3A_23, %dma_wait3A_24] : memref<1015808x32xf32, #tpu.memory_space<hbm>> -> memref<1015808x32xf32, #tpu.memory_space<hbm>>
      tpu.wait_indirect_dma semaphore(%arg13 : memref<!tpu.dma_semaphore, #tpu.memory_space<semaphore_mem>>) src(%dma_wait3A_25 : memref<1015808x32xf32, #tpu.memory_space<hbm>>) dst(%arg11 : memref<1600x32xf32, #tpu.memory_space<vmem>>)
      %ge3A = arith.constant 1 : i32
      %ge3A_26 = arith.cmpi sge, %add3A_22, %ge3A : i32
      %convert_element_type3A = arith.extui %ge3A_26 : i1 to i32
      %cond3A = arith.constant 0 : i32
      %cond3A_27 = arith.cmpi ne, %convert_element_type3A, %cond3A : i32
      scf.if %cond3A_27 {
        %dma_wait3A_60 = arith.constant 0 : i32
        %dma_wait3A_61 = arith.constant 0 : i32
        %dma_wait3A_62 = tpu.memref_slice %arg4[%dma_wait3A_60, %dma_wait3A_61] : memref<819200x32xf32, #tpu.memory_space<hbm>> -> memref<819200x32xf32, #tpu.memory_space<hbm>>
        tpu.wait_indirect_dma semaphore(%arg16 : memref<!tpu.dma_semaphore, #tpu.memory_space<semaphore_mem>>) src(%arg12 : memref<1600x32xf32, #tpu.memory_space<vmem>>) dst(%dma_wait3A_62 : memref<819200x32xf32, #tpu.memory_space<hbm>>)
      } else {
      }
      %add3A_28 = arith.constant 1 : i32
      %add3A_29 = arith.addi %add3A_22, %add3A_28 : i32
      %lt3A = arith.constant 16 : i32
      %lt3A_30 = arith.cmpi slt, %add3A_29, %lt3A : i32
      %convert_element_type3A_31 = arith.extui %lt3A_30 : i1 to i32
      %cond3A_32 = arith.constant 0 : i32
      %cond3A_33 = arith.cmpi ne, %convert_element_type3A_31, %cond3A_32 : i32
      scf.if %cond3A_33 {
        %add3A_60 = arith.constant 1 : i32
        %add3A_61 = arith.addi %add3A_22, %add3A_60 : i32
        %mul3A_62 = arith.constant 1600 : i32
        %mul3A_63 = arith.muli %add3A_61, %mul3A_62 : i32
        %add3A_64 = arith.addi %mul3A_2, %mul3A_63 : i32
        %multiple_of3A_65 = tpu.assume_multiple %add3A_64, 1600 : i32
        "tpu.region"() ({
          %run_scoped3A = tpu.sem_alloc : memref<!tpu.dma_semaphore, #tpu.memory_space<semaphore_mem>>
          %dma_start3A_72 = tpu.memref_slice %arg3[%multiple_of3A_65] : memref<819200xi32, #tpu.memory_space<hbm>> -> memref<1600xi32, #tpu.memory_space<hbm>>
          %dma_start3A_73 = tpu.memref_slice %arg3[%multiple_of3A_65] : memref<819200xi32, #tpu.memory_space<hbm>> -> memref<1600xi32, #tpu.memory_space<hbm>>
          tpu.enqueue_dma source(%dma_start3A_73 : memref<1600xi32, #tpu.memory_space<hbm>>) target(%arg6 : memref<1600xi32, #tpu.memory_space<vmem>>) target_semaphore(%run_scoped3A : memref<!tpu.dma_semaphore, #tpu.memory_space<semaphore_mem>>)
          %dma_wait3A_74 = tpu.memref_slice %arg3[%multiple_of3A_65] : memref<819200xi32, #tpu.memory_space<hbm>> -> memref<1600xi32, #tpu.memory_space<hbm>>
          %dma_wait3A_75 = tpu.memref_slice %arg3[%multiple_of3A_65] : memref<819200xi32, #tpu.memory_space<hbm>> -> memref<1600xi32, #tpu.memory_space<hbm>>
          tpu.wait_dma2 semaphore(%run_scoped3A : memref<!tpu.dma_semaphore, #tpu.memory_space<semaphore_mem>>) src(%dma_wait3A_75 : memref<1600xi32, #tpu.memory_space<hbm>>) dst(%arg6 : memref<1600xi32, #tpu.memory_space<vmem>>)
          tpu.yield
        }) : () -> ()
        %parallel_loop3A_66 = arith.constant 0 : i32
        %parallel_loop3A_67 = arith.constant 100 : i32
        %parallel_loop3A_68 = arith.constant 1 : i32
        scf.for %parallel_loop3A_72 = %parallel_loop3A_66 to %parallel_loop3A_67 step %parallel_loop3A_68  : i32 {
          %parallel_loop3A_73 = arith.constant 16 : i32
          %parallel_loop3A_74 = arith.muli %parallel_loop3A_72, %parallel_loop3A_73 : i32
          %parallel_loop3A_75 = tpu.assume_multiple %parallel_loop3A_74, 16 : i32
          %parallel_loop3A_76 = arith.index_cast %parallel_loop3A_75 : i32 to index
          %parallel_loop3A_77 = tpu.vector_load %arg6[%parallel_loop3A_76] {strides = array<i32>} : memref<1600xi32, #tpu.memory_space<vmem>>, vector<16xi32>,
          %parallel_loop3A_78 = arith.constant 32767 : i32
          %parallel_loop3A_79 = vector.broadcast %parallel_loop3A_78 : i32 to vector<16xi32>
          %parallel_loop3A_80 = arith.andi %parallel_loop3A_77, %parallel_loop3A_79 : vector<16xi32>
          %parallel_loop3A_81 = arith.subi %parallel_loop3A_77, %parallel_loop3A_80 : vector<16xi32>
          %parallel_loop3A_82 = arith.constant 8191 : i32
          %parallel_loop3A_83 = vector.broadcast %parallel_loop3A_82 : i32 to vector<16xi32>
          %parallel_loop3A_84 = arith.andi %parallel_loop3A_80, %parallel_loop3A_83 : vector<16xi32>
          %parallel_loop3A_85 = arith.constant 2 : i32
          %parallel_loop3A_86 = vector.broadcast %parallel_loop3A_85 : i32 to vector<16xi32>
          %parallel_loop3A_87 = arith.shli %parallel_loop3A_84, %parallel_loop3A_86 : vector<16xi32>
          %parallel_loop3A_88 = arith.addi %parallel_loop3A_81, %parallel_loop3A_87 : vector<16xi32>
          %parallel_loop3A_89 = arith.constant 13 : i32
          %parallel_loop3A_90 = vector.broadcast %parallel_loop3A_89 : i32 to vector<16xi32>
          %parallel_loop3A_91 = arith.shrsi %parallel_loop3A_80, %parallel_loop3A_90 : vector<16xi32>
          %parallel_loop3A_92 = arith.addi %parallel_loop3A_88, %parallel_loop3A_91 : vector<16xi32>
          %parallel_loop3A_93 = arith.index_cast %parallel_loop3A_75 : i32 to index
          %parallel_loop3A_94 = tpu.vector_load %arg8[%parallel_loop3A_93] {strides = array<i32>} : memref<1600xi32, #tpu.memory_space<vmem>>, vector<16xi32>,
          tpu.vector_store %arg8[%parallel_loop3A_93], %parallel_loop3A_92 {strides = array<i32>} : memref<1600xi32, #tpu.memory_space<vmem>>, vector<16xi32>,
          %parallel_loop3A_95 = arith.addi %multiple_of3A_65, %parallel_loop3A_75 : i32
          %parallel_loop3A_96 = vector.broadcast %parallel_loop3A_95 : i32 to vector<16xi32>
          %parallel_loop3A_97 = arith.addi %parallel_loop3A_96, %iota3A : vector<16xi32>
          %parallel_loop3A_98 = arith.constant 50 : i32
          %parallel_loop3A_99 = vector.broadcast %parallel_loop3A_98 : i32 to vector<16xi32>
          %parallel_loop3A_100 = arith.divsi %parallel_loop3A_97, %parallel_loop3A_99 : vector<16xi32>
          %parallel_loop3A_101 = arith.constant 0 : i32
          %parallel_loop3A_102 = vector.broadcast %parallel_loop3A_101 : i32 to vector<16xi32>
          %parallel_loop3A_103 = arith.cmpi sgt, %parallel_loop3A_97, %parallel_loop3A_102 : vector<16xi32>
          %parallel_loop3A_104 = arith.extui %parallel_loop3A_103 : vector<16xi1> to vector<16xi32>
          %parallel_loop3A_105 = arith.constant 0 : i32
          %parallel_loop3A_106 = vector.broadcast %parallel_loop3A_105 : i32 to vector<16xi32>
          %parallel_loop3A_107 = arith.cmpi slt, %parallel_loop3A_97, %parallel_loop3A_106 : vector<16xi32>
          %parallel_loop3A_108 = arith.extui %parallel_loop3A_107 : vector<16xi1> to vector<16xi32>
          %parallel_loop3A_109 = arith.subi %parallel_loop3A_104, %parallel_loop3A_108 : vector<16xi32>
          %parallel_loop3A_110 = arith.constant 0 : i32
          %parallel_loop3A_111 = arith.cmpi sgt, %parallel_loop3A_98, %parallel_loop3A_110 : i32
          %parallel_loop3A_112 = arith.extui %parallel_loop3A_111 : i1 to i32
          %parallel_loop3A_113 = arith.constant 0 : i32
          %parallel_loop3A_114 = arith.cmpi slt, %parallel_loop3A_98, %parallel_loop3A_113 : i32
          %parallel_loop3A_115 = arith.extui %parallel_loop3A_114 : i1 to i32
          %parallel_loop3A_116 = arith.subi %parallel_loop3A_112, %parallel_loop3A_115 : i32
          %parallel_loop3A_117 = vector.broadcast %parallel_loop3A_116 : i32 to vector<16xi32>
          %parallel_loop3A_118 = arith.cmpi ne, %parallel_loop3A_109, %parallel_loop3A_117 : vector<16xi32>
          %parallel_loop3A_119 = vector.broadcast %parallel_loop3A_98 : i32 to vector<16xi32>
          %parallel_loop3A_120 = arith.remsi %parallel_loop3A_97, %parallel_loop3A_119 : vector<16xi32>
          %parallel_loop3A_121 = arith.constant 0 : i32
          %parallel_loop3A_122 = vector.broadcast %parallel_loop3A_121 : i32 to vector<16xi32>
          %parallel_loop3A_123 = arith.cmpi ne, %parallel_loop3A_120, %parallel_loop3A_122 : vector<16xi32>
          %parallel_loop3A_124 = arith.andi %parallel_loop3A_118, %parallel_loop3A_123 : vector<16xi1>
          %parallel_loop3A_125 = arith.constant 1 : i32
          %parallel_loop3A_126 = vector.broadcast %parallel_loop3A_125 : i32 to vector<16xi32>
          %parallel_loop3A_127 = arith.subi %parallel_loop3A_100, %parallel_loop3A_126 : vector<16xi32>
          %parallel_loop3A_128 = arith.select %parallel_loop3A_124, %parallel_loop3A_127, %parallel_loop3A_100 : vector<16xi1>, vector<16xi32>
          %parallel_loop3A_129 = arith.constant 50 : i32
          %parallel_loop3A_130 = vector.broadcast %parallel_loop3A_129 : i32 to vector<16xi32>
          %parallel_loop3A_131 = arith.muli %parallel_loop3A_128, %parallel_loop3A_130 : vector<16xi32>
          %parallel_loop3A_132 = arith.subi %parallel_loop3A_97, %parallel_loop3A_131 : vector<16xi32>
          %parallel_loop3A_133 = arith.constant 16384 : i32
          %parallel_loop3A_134 = vector.broadcast %parallel_loop3A_133 : i32 to vector<16xi32>
          %parallel_loop3A_135 = arith.muli %parallel_loop3A_132, %parallel_loop3A_134 : vector<16xi32>
          %parallel_loop3A_136 = arith.constant 4095 : i32
          %parallel_loop3A_137 = vector.broadcast %parallel_loop3A_136 : i32 to vector<16xi32>
          %parallel_loop3A_138 = arith.andi %parallel_loop3A_128, %parallel_loop3A_137 : vector<16xi32>
          %parallel_loop3A_139 = arith.constant 2 : i32
          %parallel_loop3A_140 = vector.broadcast %parallel_loop3A_139 : i32 to vector<16xi32>
          %parallel_loop3A_141 = arith.shli %parallel_loop3A_138, %parallel_loop3A_140 : vector<16xi32>
          %parallel_loop3A_142 = arith.addi %parallel_loop3A_135, %parallel_loop3A_141 : vector<16xi32>
          %parallel_loop3A_143 = arith.constant 12 : i32
          %parallel_loop3A_144 = vector.broadcast %parallel_loop3A_143 : i32 to vector<16xi32>
          %parallel_loop3A_145 = arith.shrsi %parallel_loop3A_128, %parallel_loop3A_144 : vector<16xi32>
          %parallel_loop3A_146 = arith.addi %parallel_loop3A_142, %parallel_loop3A_145 : vector<16xi32>
          %parallel_loop3A_147 = arith.index_cast %parallel_loop3A_75 : i32 to index
          %parallel_loop3A_148 = tpu.vector_load %arg10[%parallel_loop3A_147] {strides = array<i32>} : memref<1600xi32, #tpu.memory_space<vmem>>, vector<16xi32>,
          tpu.vector_store %arg10[%parallel_loop3A_147], %parallel_loop3A_146 {strides = array<i32>} : memref<1600xi32, #tpu.memory_space<vmem>>, vector<16xi32>,
        } {sc.loop_unroll_factor = 4 : i64, sc.parallel_access}
        %dma_start3A_69 = arith.constant 0 : i32
        %dma_start3A_70 = arith.constant 0 : i32
        %dma_start3A_71 = tpu.memref_slice %arg2[%dma_start3A_69, %dma_start3A_70] : memref<1015808x32xf32, #tpu.memory_space<hbm>> -> memref<1015808x32xf32, #tpu.memory_space<hbm>>
        tpu.enqueue_indirect_dma source(%dma_start3A_71 : memref<1015808x32xf32, #tpu.memory_space<hbm>>) target(%arg12 : memref<1600x32xf32, #tpu.memory_space<vmem>>) offsets(%arg8 : memref<1600xi32, #tpu.memory_space<vmem>>) semaphore(%arg14 : memref<!tpu.dma_semaphore, #tpu.memory_space<semaphore_mem>>)
      } else {
      }
      %dma_start3A_34 = arith.constant 0 : i32
      %dma_start3A_35 = arith.constant 0 : i32
      %dma_start3A_36 = tpu.memref_slice %arg4[%dma_start3A_34, %dma_start3A_35] : memref<819200x32xf32, #tpu.memory_space<hbm>> -> memref<819200x32xf32, #tpu.memory_space<hbm>>
      tpu.enqueue_indirect_dma source(%arg11 : memref<1600x32xf32, #tpu.memory_space<vmem>>) target(%dma_start3A_36 : memref<819200x32xf32, #tpu.memory_space<hbm>>) offsets(%arg9 : memref<1600xi32, #tpu.memory_space<vmem>>) semaphore(%arg15 : memref<!tpu.dma_semaphore, #tpu.memory_space<semaphore_mem>>)
      %mul3A_37 = arith.constant 2 : i32
      %mul3A_38 = arith.muli %scan3A_17, %mul3A_37 : i32
      %add3A_39 = arith.constant 1 : i32
      %add3A_40 = arith.addi %mul3A_38, %add3A_39 : i32
      %dma_wait3A_41 = arith.constant 0 : i32
      %dma_wait3A_42 = arith.constant 0 : i32
      %dma_wait3A_43 = tpu.memref_slice %arg2[%dma_wait3A_41, %dma_wait3A_42] : memref<1015808x32xf32, #tpu.memory_space<hbm>> -> memref<1015808x32xf32, #tpu.memory_space<hbm>>
      tpu.wait_indirect_dma semaphore(%arg14 : memref<!tpu.dma_semaphore, #tpu.memory_space<semaphore_mem>>) src(%dma_wait3A_43 : memref<1015808x32xf32, #tpu.memory_space<hbm>>) dst(%arg12 : memref<1600x32xf32, #tpu.memory_space<vmem>>)
      %ge3A_44 = arith.constant 1 : i32
      %ge3A_45 = arith.cmpi sge, %add3A_40, %ge3A_44 : i32
      %convert_element_type3A_46 = arith.extui %ge3A_45 : i1 to i32
      %cond3A_47 = arith.constant 0 : i32
      %cond3A_48 = arith.cmpi ne, %convert_element_type3A_46, %cond3A_47 : i32
      scf.if %cond3A_48 {
        %dma_wait3A_60 = arith.constant 0 : i32
        %dma_wait3A_61 = arith.constant 0 : i32
        %dma_wait3A_62 = tpu.memref_slice %arg4[%dma_wait3A_60, %dma_wait3A_61] : memref<819200x32xf32, #tpu.memory_space<hbm>> -> memref<819200x32xf32, #tpu.memory_space<hbm>>
        tpu.wait_indirect_dma semaphore(%arg15 : memref<!tpu.dma_semaphore, #tpu.memory_space<semaphore_mem>>) src(%arg11 : memref<1600x32xf32, #tpu.memory_space<vmem>>) dst(%dma_wait3A_62 : memref<819200x32xf32, #tpu.memory_space<hbm>>)
      } else {
      }
      %add3A_49 = arith.constant 1 : i32
      %add3A_50 = arith.addi %add3A_40, %add3A_49 : i32
      %lt3A_51 = arith.constant 16 : i32
      %lt3A_52 = arith.cmpi slt, %add3A_50, %lt3A_51 : i32
      %convert_element_type3A_53 = arith.extui %lt3A_52 : i1 to i32
      %cond3A_54 = arith.constant 0 : i32
      %cond3A_55 = arith.cmpi ne, %convert_element_type3A_53, %cond3A_54 : i32
      scf.if %cond3A_55 {
        %add3A_60 = arith.constant 1 : i32
        %add3A_61 = arith.addi %add3A_40, %add3A_60 : i32
        %mul3A_62 = arith.constant 1600 : i32
        %mul3A_63 = arith.muli %add3A_61, %mul3A_62 : i32
        %add3A_64 = arith.addi %mul3A_2, %mul3A_63 : i32
        %multiple_of3A_65 = tpu.assume_multiple %add3A_64, 1600 : i32
        "tpu.region"() ({
          %run_scoped3A = tpu.sem_alloc : memref<!tpu.dma_semaphore, #tpu.memory_space<semaphore_mem>>
          %dma_start3A_72 = tpu.memref_slice %arg3[%multiple_of3A_65] : memref<819200xi32, #tpu.memory_space<hbm>> -> memref<1600xi32, #tpu.memory_space<hbm>>
          %dma_start3A_73 = tpu.memref_slice %arg3[%multiple_of3A_65] : memref<819200xi32, #tpu.memory_space<hbm>> -> memref<1600xi32, #tpu.memory_space<hbm>>
          tpu.enqueue_dma source(%dma_start3A_73 : memref<1600xi32, #tpu.memory_space<hbm>>) target(%arg5 : memref<1600xi32, #tpu.memory_space<vmem>>) target_semaphore(%run_scoped3A : memref<!tpu.dma_semaphore, #tpu.memory_space<semaphore_mem>>)
          %dma_wait3A_74 = tpu.memref_slice %arg3[%multiple_of3A_65] : memref<819200xi32, #tpu.memory_space<hbm>> -> memref<1600xi32, #tpu.memory_space<hbm>>
          %dma_wait3A_75 = tpu.memref_slice %arg3[%multiple_of3A_65] : memref<819200xi32, #tpu.memory_space<hbm>> -> memref<1600xi32, #tpu.memory_space<hbm>>
          tpu.wait_dma2 semaphore(%run_scoped3A : memref<!tpu.dma_semaphore, #tpu.memory_space<semaphore_mem>>) src(%dma_wait3A_75 : memref<1600xi32, #tpu.memory_space<hbm>>) dst(%arg5 : memref<1600xi32, #tpu.memory_space<vmem>>)
          tpu.yield
        }) : () -> ()
        %parallel_loop3A_66 = arith.constant 0 : i32
        %parallel_loop3A_67 = arith.constant 100 : i32
        %parallel_loop3A_68 = arith.constant 1 : i32
        scf.for %parallel_loop3A_72 = %parallel_loop3A_66 to %parallel_loop3A_67 step %parallel_loop3A_68  : i32 {
          %parallel_loop3A_73 = arith.constant 16 : i32
          %parallel_loop3A_74 = arith.muli %parallel_loop3A_72, %parallel_loop3A_73 : i32
          %parallel_loop3A_75 = tpu.assume_multiple %parallel_loop3A_74, 16 : i32
          %parallel_loop3A_76 = arith.index_cast %parallel_loop3A_75 : i32 to index
          %parallel_loop3A_77 = tpu.vector_load %arg5[%parallel_loop3A_76] {strides = array<i32>} : memref<1600xi32, #tpu.memory_space<vmem>>, vector<16xi32>,
          %parallel_loop3A_78 = arith.constant 32767 : i32
          %parallel_loop3A_79 = vector.broadcast %parallel_loop3A_78 : i32 to vector<16xi32>
          %parallel_loop3A_80 = arith.andi %parallel_loop3A_77, %parallel_loop3A_79 : vector<16xi32>
          %parallel_loop3A_81 = arith.subi %parallel_loop3A_77, %parallel_loop3A_80 : vector<16xi32>
          %parallel_loop3A_82 = arith.constant 8191 : i32
          %parallel_loop3A_83 = vector.broadcast %parallel_loop3A_82 : i32 to vector<16xi32>
          %parallel_loop3A_84 = arith.andi %parallel_loop3A_80, %parallel_loop3A_83 : vector<16xi32>
          %parallel_loop3A_85 = arith.constant 2 : i32
          %parallel_loop3A_86 = vector.broadcast %parallel_loop3A_85 : i32 to vector<16xi32>
          %parallel_loop3A_87 = arith.shli %parallel_loop3A_84, %parallel_loop3A_86 : vector<16xi32>
          %parallel_loop3A_88 = arith.addi %parallel_loop3A_81, %parallel_loop3A_87 : vector<16xi32>
          %parallel_loop3A_89 = arith.constant 13 : i32
          %parallel_loop3A_90 = vector.broadcast %parallel_loop3A_89 : i32 to vector<16xi32>
          %parallel_loop3A_91 = arith.shrsi %parallel_loop3A_80, %parallel_loop3A_90 : vector<16xi32>
          %parallel_loop3A_92 = arith.addi %parallel_loop3A_88, %parallel_loop3A_91 : vector<16xi32>
          %parallel_loop3A_93 = arith.index_cast %parallel_loop3A_75 : i32 to index
          %parallel_loop3A_94 = tpu.vector_load %arg7[%parallel_loop3A_93] {strides = array<i32>} : memref<1600xi32, #tpu.memory_space<vmem>>, vector<16xi32>,
          tpu.vector_store %arg7[%parallel_loop3A_93], %parallel_loop3A_92 {strides = array<i32>} : memref<1600xi32, #tpu.memory_space<vmem>>, vector<16xi32>,
          %parallel_loop3A_95 = arith.addi %multiple_of3A_65, %parallel_loop3A_75 : i32
          %parallel_loop3A_96 = vector.broadcast %parallel_loop3A_95 : i32 to vector<16xi32>
          %parallel_loop3A_97 = arith.addi %parallel_loop3A_96, %iota3A : vector<16xi32>
          %parallel_loop3A_98 = arith.constant 50 : i32
          %parallel_loop3A_99 = vector.broadcast %parallel_loop3A_98 : i32 to vector<16xi32>
          %parallel_loop3A_100 = arith.divsi %parallel_loop3A_97, %parallel_loop3A_99 : vector<16xi32>
          %parallel_loop3A_101 = arith.constant 0 : i32
          %parallel_loop3A_102 = vector.broadcast %parallel_loop3A_101 : i32 to vector<16xi32>
          %parallel_loop3A_103 = arith.cmpi sgt, %parallel_loop3A_97, %parallel_loop3A_102 : vector<16xi32>
          %parallel_loop3A_104 = arith.extui %parallel_loop3A_103 : vector<16xi1> to vector<16xi32>
          %parallel_loop3A_105 = arith.constant 0 : i32
          %parallel_loop3A_106 = vector.broadcast %parallel_loop3A_105 : i32 to vector<16xi32>
          %parallel_loop3A_107 = arith.cmpi slt, %parallel_loop3A_97, %parallel_loop3A_106 : vector<16xi32>
          %parallel_loop3A_108 = arith.extui %parallel_loop3A_107 : vector<16xi1> to vector<16xi32>
          %parallel_loop3A_109 = arith.subi %parallel_loop3A_104, %parallel_loop3A_108 : vector<16xi32>
          %parallel_loop3A_110 = arith.constant 0 : i32
          %parallel_loop3A_111 = arith.cmpi sgt, %parallel_loop3A_98, %parallel_loop3A_110 : i32
          %parallel_loop3A_112 = arith.extui %parallel_loop3A_111 : i1 to i32
          %parallel_loop3A_113 = arith.constant 0 : i32
          %parallel_loop3A_114 = arith.cmpi slt, %parallel_loop3A_98, %parallel_loop3A_113 : i32
          %parallel_loop3A_115 = arith.extui %parallel_loop3A_114 : i1 to i32
          %parallel_loop3A_116 = arith.subi %parallel_loop3A_112, %parallel_loop3A_115 : i32
          %parallel_loop3A_117 = vector.broadcast %parallel_loop3A_116 : i32 to vector<16xi32>
          %parallel_loop3A_118 = arith.cmpi ne, %parallel_loop3A_109, %parallel_loop3A_117 : vector<16xi32>
          %parallel_loop3A_119 = vector.broadcast %parallel_loop3A_98 : i32 to vector<16xi32>
          %parallel_loop3A_120 = arith.remsi %parallel_loop3A_97, %parallel_loop3A_119 : vector<16xi32>
          %parallel_loop3A_121 = arith.constant 0 : i32
          %parallel_loop3A_122 = vector.broadcast %parallel_loop3A_121 : i32 to vector<16xi32>
          %parallel_loop3A_123 = arith.cmpi ne, %parallel_loop3A_120, %parallel_loop3A_122 : vector<16xi32>
          %parallel_loop3A_124 = arith.andi %parallel_loop3A_118, %parallel_loop3A_123 : vector<16xi1>
          %parallel_loop3A_125 = arith.constant 1 : i32
          %parallel_loop3A_126 = vector.broadcast %parallel_loop3A_125 : i32 to vector<16xi32>
          %parallel_loop3A_127 = arith.subi %parallel_loop3A_100, %parallel_loop3A_126 : vector<16xi32>
          %parallel_loop3A_128 = arith.select %parallel_loop3A_124, %parallel_loop3A_127, %parallel_loop3A_100 : vector<16xi1>, vector<16xi32>
          %parallel_loop3A_129 = arith.constant 50 : i32
          %parallel_loop3A_130 = vector.broadcast %parallel_loop3A_129 : i32 to vector<16xi32>
          %parallel_loop3A_131 = arith.muli %parallel_loop3A_128, %parallel_loop3A_130 : vector<16xi32>
          %parallel_loop3A_132 = arith.subi %parallel_loop3A_97, %parallel_loop3A_131 : vector<16xi32>
          %parallel_loop3A_133 = arith.constant 16384 : i32
          %parallel_loop3A_134 = vector.broadcast %parallel_loop3A_133 : i32 to vector<16xi32>
          %parallel_loop3A_135 = arith.muli %parallel_loop3A_132, %parallel_loop3A_134 : vector<16xi32>
          %parallel_loop3A_136 = arith.constant 4095 : i32
          %parallel_loop3A_137 = vector.broadcast %parallel_loop3A_136 : i32 to vector<16xi32>
          %parallel_loop3A_138 = arith.andi %parallel_loop3A_128, %parallel_loop3A_137 : vector<16xi32>
          %parallel_loop3A_139 = arith.constant 2 : i32
          %parallel_loop3A_140 = vector.broadcast %parallel_loop3A_139 : i32 to vector<16xi32>
          %parallel_loop3A_141 = arith.shli %parallel_loop3A_138, %parallel_loop3A_140 : vector<16xi32>
          %parallel_loop3A_142 = arith.addi %parallel_loop3A_135, %parallel_loop3A_141 : vector<16xi32>
          %parallel_loop3A_143 = arith.constant 12 : i32
          %parallel_loop3A_144 = vector.broadcast %parallel_loop3A_143 : i32 to vector<16xi32>
          %parallel_loop3A_145 = arith.shrsi %parallel_loop3A_128, %parallel_loop3A_144 : vector<16xi32>
          %parallel_loop3A_146 = arith.addi %parallel_loop3A_142, %parallel_loop3A_145 : vector<16xi32>
          %parallel_loop3A_147 = arith.index_cast %parallel_loop3A_75 : i32 to index
          %parallel_loop3A_148 = tpu.vector_load %arg9[%parallel_loop3A_147] {strides = array<i32>} : memref<1600xi32, #tpu.memory_space<vmem>>, vector<16xi32>,
          tpu.vector_store %arg9[%parallel_loop3A_147], %parallel_loop3A_146 {strides = array<i32>} : memref<1600xi32, #tpu.memory_space<vmem>>, vector<16xi32>,
        } {sc.loop_unroll_factor = 4 : i64, sc.parallel_access}
        %dma_start3A_69 = arith.constant 0 : i32
        %dma_start3A_70 = arith.constant 0 : i32
        %dma_start3A_71 = tpu.memref_slice %arg2[%dma_start3A_69, %dma_start3A_70] : memref<1015808x32xf32, #tpu.memory_space<hbm>> -> memref<1015808x32xf32, #tpu.memory_space<hbm>>
        tpu.enqueue_indirect_dma source(%dma_start3A_71 : memref<1015808x32xf32, #tpu.memory_space<hbm>>) target(%arg11 : memref<1600x32xf32, #tpu.memory_space<vmem>>) offsets(%arg7 : memref<1600xi32, #tpu.memory_space<vmem>>) semaphore(%arg13 : memref<!tpu.dma_semaphore, #tpu.memory_space<semaphore_mem>>)
      } else {
      }
      %dma_start3A_56 = arith.constant 0 : i32
      %dma_start3A_57 = arith.constant 0 : i32
      %dma_start3A_58 = tpu.memref_slice %arg4[%dma_start3A_56, %dma_start3A_57] : memref<819200x32xf32, #tpu.memory_space<hbm>> -> memref<819200x32xf32, #tpu.memory_space<hbm>>
      tpu.enqueue_indirect_dma source(%arg12 : memref<1600x32xf32, #tpu.memory_space<vmem>>) target(%dma_start3A_58 : memref<819200x32xf32, #tpu.memory_space<hbm>>) offsets(%arg10 : memref<1600xi32, #tpu.memory_space<vmem>>) semaphore(%arg16 : memref<!tpu.dma_semaphore, #tpu.memory_space<semaphore_mem>>)
      %scan3A_59 = arith.constant 0 : i32
      scf.yield %scan3A_59 : i32
    }
    %scan3A_14 = arith.constant 8 : i32
    %dma_wait3A = arith.constant 0 : i32
    %dma_wait3A_15 = arith.constant 0 : i32
    %dma_wait3A_16 = tpu.memref_slice %arg4[%dma_wait3A, %dma_wait3A_15] : memref<819200x32xf32, #tpu.memory_space<hbm>> -> memref<819200x32xf32, #tpu.memory_space<hbm>>
    tpu.wait_indirect_dma semaphore(%arg16 : memref<!tpu.dma_semaphore, #tpu.memory_space<semaphore_mem>>) src(%arg12 : memref<1600x32xf32, #tpu.memory_space<vmem>>) dst(%dma_wait3A_16 : memref<819200x32xf32, #tpu.memory_space<hbm>>)
    return
  }
}

</mosaic_0001>

<sc_bundles>
// kernel: _lora_embed.3.cloned.1.call-start
scs
__scs_entry_jumppad:
0x0: {  	(pc) =	sbr.rel $0x88, $3  }
0x1: {  	(tag) =	ssettag $0x0;
	lr =	simm.s32 $0x1  }
0x2: {  	[smem:$0x3F9F] =	sst lr;
	_ =	strace $0xD0000000  }
0x3: {  	_ = 	snop  }
0x4: {  	_ = 	snop  }
0x5: {  	_ = 	snop  }
0x6: {  	_ = 	snop  }
0x7: {  	_ = 	snop  }
__scs_overlays_trampoline_lowered:
0x8: {  	[smem:$0x3FAE] =	sst s0  }
0x9: {  	[smem:$0x3FAF] =	sst s1  }
0xa: {  	[smem:$0x3FB0] =	sst s2  }
0xb: {  	[smem:$0x3FB1] =	sst s3  }
0xc: {  	[smem:$0x3FB2] =	sst s4  }
0xd: {  	[smem:$0x3FB3] =	sst s5  }
0xe: {  	[smem:$0x3FB4] =	sst s6  }
0xf: {  	[smem:$0x3FB5] =	sst s7  }
0x10: {  	[smem:$0x3FB6] =	sst s8  }
0x11: {  	[smem:$0x3FB7] =	sst s9;
	s0 =	simm.s32 @!p0 $0x0  }
0x12: {  	s1 =	sld [smem:$0x3F9D];
	s0 =	simm.s32 @p0 $0x1  }
0x13: {  	[smem:$0x3FB8] =	sst s0;
	s0 =	simm.s32 @!p1 $0x0  }
0x14: {  	s2 =	sld [smem:$0x3F9C];
	s0 =	simm.s32 @p1 $0x1  }
0x15: {  	[smem:$0x3FB9] =	sst s0;
	s0 =	simm.s32 @!p2 $0x0  }
0x16: {  	s3 =	sld [smem:$0x3FDB];
	s0 =	simm.s32 @p2 $0x1  }
0x17: {  	s4 =	simm.s32 $0x1BF5;
	[smem:$0x3FBB] =	sst s0  }
0x18: {  	s0 =	sld [smem:$0x3F9E];
	_ =	swait.ge [sflag:s4], $0x0  }
0x19: {  	s7 =	sld [smem:$0x3F9F]  }
0x1a: {  	s8 =	sadd.s32 $0xFFFFE003, lr  }
0x1b: {  	s9 =	sadd.s32 $0xFFFFFEF7, lr;
	s5 =	simm.s32 $0xFFFFFFFF;
	p2 =	slt.u32 s8, $0xFFFFF086  }
0x1c: {  	p1 =	slt.u32 s9, $0xF7A;
	s5 =	simm.s32 @!p2 $0x0  }
0x1d: {  	s5 =	simm.s32 @p1 $0x1;
	p0 =	seq.s32 s7, s2  }
0x1e: {  	s7 =	smul.u32 @!p0 $0xF7A, s2;
	p2 =	seq.s32 @!p0 s5, $0x0  }
0x1f: {  	s9 =	smul.u32 $0xF7A, s1;
	s8 =	simm.s32 @!p0 $0x1BF5;
	p2 =	por !p2, p0  }
0x20: {  	[sflag:s8] =	ssyncset.s32 @!p0 $0xFFFFF086;
	s6 =	sadd.s32 @!p0 s3, s7;
	s7 =	simm.s32 @!p0 $0x108  }
0x21: {  	s3 =	sadd.s32 s3, s9;
	s6 =	sadd.s32 @!p0 $0x88, s6;
	s7 =	simm.s32 @p2 $0x1082  }
0x22: {  	[simem:s7], [sflag:s8] =	dma.local @!p0 [hbm:s6], $0xF7A  }
0x23: {  	s9 =	sor.u32 $0xD0000000, s2;
	s6 =	simm.s32 $0x108;
	_ =	swait.ge @!p0 [sflag:s8], $0x0  }
0x24: {  	s3 =	sadd.s32 $0x88, s3;
	s6 =	simm.s32 @!p1 $0x1082;
	[sflag:s4] =	ssyncset.s32 $0xFFFFF086  }
0x25: {  	[simem:s6], [sflag:s4] =	dma.local [hbm:s3], $0xF7A  }
0x26: {  	[smem:$0x3F9F] =	sst s1;
	(tag) =	ssettag s2;
	_ =	strace s9  }
0x27: {  	s1 =	sld [smem:$0x3FAF]  }
0x28: {  	s2 =	sld [smem:$0x3FB0]  }
0x29: {  	s4 =	sld [smem:$0x3FB2]  }
0x2a: {  	p0 =	seq.s32 s5, $0x0;
	s5 =	sld [smem:$0x3FB3]  }
0x2b: {  	s6 =	sld [smem:$0x3FB4]  }
0x2c: {  	s7 =	sld [smem:$0x3FB5]  }
0x2d: {  	s3 =	simm.s32 $0x108;
	s8 =	sld [smem:$0x3FB6]  }
0x2e: {  	s3 =	simm.s32 @!p0 $0x1082;
	s9 =	sld [smem:$0x3FB7]  }
0x2f: {  	lr =	sadd.s32 s0, s3;
	s0 =	sld [smem:$0x3FAE]  }
0x30: {  	s3 =	sld [smem:$0x3FB1]  }
0x31: {  	[smem:$0x3FBA] =	sst s10  }
0x32: {  	s10 =	sld [smem:$0x3FB8];
	_ =	sdelay $0x3  }
0x33: {  	p0 =	seq.s32 s10, $0x1;
	s10 =	sld [smem:$0x3FBA];
	_ =	sdelay $0x3  }
0x34: {  	[smem:$0x3FBA] =	sst s10  }
0x35: {  	s10 =	sld [smem:$0x3FB9];
	_ =	sdelay $0x3  }
0x36: {  	p1 =	seq.s32 s10, $0x1;
	s10 =	sld [smem:$0x3FBA];
	_ =	sdelay $0x3  }
0x37: {  	[smem:$0x3FBA] =	sst s10  }
0x38: {  	s10 =	sld [smem:$0x3FBB]  }
0x39: {  	_ = 	snop;
	(pc) =	sbr.ind lr, $3  }
0x3a: {  	_ = 	snop  }
0x3b: {  	_ = 	snop  }
0x3c: {  	p2 =	seq.s32 s10, $0x1;
	s10 =	sld [smem:$0x3FBA]  }
0x3d: {  	_ =	shalt  }
0x3e: {  	_ =	shalt  }
0x3f: {  	_ =	shalt  }
0x40: {  	_ =	shalt  }
0x41: {  	_ =	shalt  }
0x42: {  	_ =	shalt  }
0x43: {  	_ =	shalt  }
0x44: {  	_ =	shalt  }
0x45: {  	_ =	shalt  }
0x46: {  	_ =	shalt  }
0x47: {  	_ =	shalt  }
0x48: {  	_ =	shalt  }
0x49: {  	_ =	shalt  }
0x4a: {  	_ =	shalt  }
0x4b: {  	_ =	shalt  }
0x4c: {  	_ =	shalt  }
0x4d: {  	_ =	shalt  }
0x4e: {  	_ =	shalt  }
0x4f: {  	_ =	shalt  }
0x50: {  	_ =	shalt  }
0x51: {  	_ =	shalt  }
0x52: {  	_ =	shalt  }
0x53: {  	_ =	shalt  }
0x54: {  	_ =	shalt  }
0x55: {  	_ =	shalt  }
0x56: {  	_ =	shalt  }
0x57: {  	_ =	shalt  }
0x58: {  	_ =	shalt  }
0x59: {  	_ =	shalt  }
0x5a: {  	_ =	shalt  }
0x5b: {  	_ =	shalt  }
0x5c: {  	_ =	shalt  }
0x5d: {  	_ =	shalt  }
0x5e: {  	_ =	shalt  }
0x5f: {  	_ =	shalt  }
0x60: {  	_ =	shalt  }
0x61: {  	_ =	shalt  }
0x62: {  	_ =	shalt  }
0x63: {  	_ =	shalt  }
0x64: {  	_ =	shalt  }
0x65: {  	_ =	shalt  }
0x66: {  	_ =	shalt  }
0x67: {  	_ =	shalt  }
0x68: {  	_ =	shalt  }
0x69: {  	_ =	shalt  }
0x6a: {  	_ =	shalt  }
0x6b: {  	_ =	shalt  }
0x6c: {  	_ =	shalt  }
0x6d: {  	_ =	shalt  }
0x6e: {  	_ =	shalt  }
0x6f: {  	_ =	shalt  }
0x70: {  	_ =	shalt  }
0x71: {  	_ =	shalt  }
0x72: {  	_ =	shalt  }
0x73: {  	_ =	shalt  }
0x74: {  	_ =	shalt  }
0x75: {  	_ =	shalt  }
0x76: {  	_ =	shalt  }
0x77: {  	_ =	shalt  }
0x78: {  	_ =	shalt  }
0x79: {  	_ =	shalt  }
0x7a: {  	_ =	shalt  }
0x7b: {  	_ =	shalt  }
0x7c: {  	_ =	shalt  }
0x7d: {  	_ =	shalt  }
0x7e: {  	_ =	shalt  }
0x7f: {  	_ =	shalt  }
0x80: {  	_ =	shalt  }
0x81: {  	_ =	shalt  }
0x82: {  	_ =	shalt  }
0x83: {  	_ =	shalt  }
0x84: {  	_ =	shalt  }
0x85: {  	_ =	shalt  }
0x86: {  	_ =	shalt  }
0x87: {  	_ =	shalt  }
.Lfunc_end0:
.L_simem_size_0:
called_computation.1_lowered:
.L_overlay_start_0:
0x88: {  	s2 =	sld [smem:$0x3FD9]  }
0x89: {  	s3 =	sld [smem:$0x3FFE];
	_ =	sdelay $0x1  }
0x8a: {  	s1 =	srdreg.scid  }
0x8b: {  	s0 =	sand.u32 $0x1, s1  }
0x8c: {  	s17 =	sshll.u32 s0, $0xA;
	s2 =	sadd.s32 s3, s2  }
0x8d: {  	s2 =	sadd.s32 s2, s17  }
0x8e: {  	[smem:$0x3FC6] =	sst s2  }
0x8f: {  	_ = 	snop  }
0x90: {  	s2 =	sld [smem:$0x3FC8]  }
0x91: {  	s18 =	sld [smem:$0x3FD0];
	(tm) =	ssettm $0x1  }
0x92: {  	s4 =	sld [smem:$0x3FFB];
	_ =	sdelay $0x3  }
0x93: {  	_ =	strace s4  }
0x94: {  	s4 =	sld [smem:$0x3FFC];
	_ =	sdelay $0x3  }
0x95: {  	_ =	strace s4  }
0x96: {  	s4 =	sld [smem:$0x3FFD];
	_ =	sdelay $0x3  }
0x97: {  	_ =	strace s4  }
0x98: {  	_ =	strace $0x8FFFFFFF  }
0x99: {  	s19 =	sld [smem:$0x3FDB];
	_ =	sdelay $0x1  }
0x9a: {  	s5 =	simm.s32 $_scs_section_size  }
0x9b: {  	s6 =	simm.s32 $_size__tile_overlayer_lowered;
	s7 =	simm.s32 $_tile_overlayer_lowered  }
0x9c: {  	s22 =	simm.s32 $0x1BFF;
	s21 =	sshll.u32 s7, $0x1;
	s4 =	sadd.s32 s5, s19  }
0x9d: {  	s8 =	simm.s32 $0x0;
	s20 =	sshll.u32 s6, $0x1;
	s6 =	sadd.s32 s21, s4  }
0x9e: {  	[timem:s8], [sflag:s22] =	dma.local [hbm:s6], s20  }
0x9f: {  	_ =	swait.ge [sflag:s22], s20  }
0xa0: {  	s5 =	ssub.s32 $0x0, s20;
	[sflag:s22] =	ssyncset.done $0x0  }
0xa1: {  	[sflag:s22] =	ssyncadd.s32 s5;
	_ =	sdelay $0x1  }
0xa2: {  	s23 =	simm.s32 $0x1B8B  }
0xa3: {  	_ =	swait.ge [sflag:s23], $0x1  }
0xa4: {  	[sflag:s23] =	ssyncset.done $0x0  }
0xa5: {  	s25 =	simm.s32 $0x1B8E;
	s24 =	sld [smem:$0x3FFE];
	[sflag:s23] =	ssyncadd.s32 $0xFFFFFFFF  }
0xa6: {  	s26 =	simm.s32 $execute0_lowered;
	[smem:$0x3FD2] =	sst s25  }
0xa7: {  	s6 =	sshll.u32 s26, $0x1;
	_ =	strace $0x80000046;
	[dreg:$0x1] =	wrdreg $0xFFFFFFFF  }
0xa8: {  	s28 =	simm.s32 $_size_execute0_lowered;
	s4 =	sadd.s32 s4, s6;
	[dreg:$0x0] =	wrdreg $0x0  }
0xa9: {  	s6 =	sshll.u32 s28, $0x1;
	[dreg:$0x2] =	wrdreg s4  }
0xaa: {  	[dreg:$0x3] =	wrdreg s6  }
0xab: {  	[dreg:$0x4] =	wrdreg $0xC0  }
0xac: {  	_ =	task [dreg:s8], $0x5FFFF  }
0xad: {  	[dreg:$0x1] =	wrdreg $0xFFFFFFFF  }
0xae: {  	[dreg:$0x0] =	wrdreg $0x60  }
0xaf: {  	[dreg:$0x2] =	wrdreg s24  }
0xb0: {  	[dreg:$0x3] =	wrdreg s2  }
0xb1: {  	[dreg:$0x4] =	wrdreg s18  }
0xb2: {  	[dreg:$0x5] =	wrdreg $0x9  }
0xb3: {  	_ =	task.clear_ibuf [dreg:s8], $0x6FFFF;
	_ =	strace $0x90000046  }
0xb4: {  	s29 =	simm.s32 $0x9;
	_ =	strace $0x80000048  }
0xb5: {  	_ =	swait.ge [sflag:s29], $0x1  }
0xb6: {  	[sflag:s29] =	ssyncadd.s32 $0xFFFFFFFF  }
0xb7: {  	_ =	strace $0x90000048  }
0xb8: {  	_ =	sfence  }
0xb9: {  	s30 =	sld [smem:$0x0];
	_ =	sdelay $0x2  }
0xba: {  	s31 =	sshll.u32 s1, $0xD;
	s1 =	sshrl.u32 s1, $0x2  }
0xbb: {  	s3 =	sand.u32 $0x4000, s31;
	s1 =	sadd.s32 s1, s30  }
0xbc: {  	s0 =	sor.u32 s3, s0;
	s1 =	sshll.u32 s1, $0x11  }
0xbd: {  	s0 =	sor.u32 s1, s0  }
0xbe: {  	s0 =	sadd.s32 $0x8F2B, s0  }
0xbf: {  	[sflag:s0] =	ssyncadd.remote.s32 $0x1  }
0xc0: {  	_ =	sfence.sel $0xFFFF  }
0xc1: {  	[dreg:$0x0] =	wrdreg $0xFFFFFFFF;
	(pc) =	sbr.abs _section_cstart, $3  }
0xc2: {  	[dreg:$0x1] =	wrdreg $0xFFFFFFFF  }
0xc3: {  	_ =	task.clear_ibuf [dreg:s8], $0x2FFFF;
	_ =	strace $0x9FFFFFFF  }
0xc4: {  	(tm) =	ssettm $0x7FFFFFFF  }
0xc5: {  	_ =	shalt  }
tec
execute0_lowered:
.L_overlay_start_1:
0x0: {  	(tag) =	ssettag $0x1  }
0x1: {  	s0 =	rddreg [dreg:$0x0]  }
0x2: {  	s1 =	srdreg.scid;
	s2 =	rddreg [dreg:$0x1]  }
0x3: {  	s8 =	stileid.u32;
	s3 =	rddreg [dreg:$0x2];
	s13 =	simm.s32 $0x5  }
0x4: {  	s14 =	simm.s32 $0x640;
	s15 =	simm.s32 $0xC80;
	s16 =	simm.s32 $0x2580  }
0x5: {  	s17 =	simm.s32 $0x1;
	s18 =	simm.s32 $0x12C0;
	s19 =	simm.s32 $0xED80  }
0x6: {  	s20 =	simm.s32 $0x1900;
	s21 =	simm.s32 $0x2;
	s22 =	simm.s32 $0x3  }
0x7: {  	s23 =	simm.s32 $0x1F40;
	s24 =	simm.s32 $0x4;
	s25 =	simm.s32 $0x0  }
0x8: {  	s1 =	sand.u32 $0x1, s1;
	s4 =	sshll.u32 s8, $0x1;
	s8 =	smul.u32 $0xC800, s8  }
0x9: {  	s5 =	sor.u32 s1, s4;
	s7 =	ssub.s32 $0x2, s1;
	s1 =	smul.u32 $0x6400, s1  }
0xa: {  	s4 =	simm.s32 $0x0;
	s6 =	smul.u32 $0x6400, s5;
	s9 =	sshrl.u32 s7, $0x1  }
0xb: {  	[smem:$0x7FF] =	sst s4;
	s5 =	sadd.s32 $0xF80800, s0;
	s28 =	ssub.s32 s7, s9  }
.Ltmp0:
0xc: {  	s1 =	sadd.s32 s1, s8;
	s0 =	smax.u32 s28, $0x1;
	(pc) =	sbr.rel .LBB2_1-.Ltmp0, $4  }
0xd: {  	_ =	strace $0x80000047;
	s30 =	sadd.s32 $0x670, s1;
	[dreg:$0x5] =	wrdreg s0  }
0xe: {  	s29 =	sshrl.u32 s6, $0x3;
	s31 =	sadd.s32 $0xCB0, s1;
	[dreg:$0x6] =	wrdreg s30  }
0xf: {  	s8 =	sadd.s32 $0xC80, s6;
	s7 =	sadd.s32 s2, s29;
	[dreg:$0x7] =	wrdreg s31  }
0x10: {  	v0 =	vlaneseq.u32;
	v1 =	vimm.s32 $0x0;
	s10 =	sor.u32 $0x30, s1;
	[dreg:$0x4] =	wrdreg s7;
	s7 =	sadd.s32 $0x640, s6  }
.LBB2_10:
0x11: {  	[hbm4b:s3+s14] =	stream.indirect.scatter [tilespmem:s19], [sflag:$0x4], $0x20, s23, s14, $0xb8;
	[tilespmem:$0x1B580] =	vst v63  }
0x12: {  	_ =	swait.ge [sflag:s24], $0xC800  }
0x13: {  	s25 =	sadd.s32 $0x1, s25;
	s0 =	rddreg [dreg:$0x5]  }
0x14: {  	p0 =	sne.s32 s25, s0  }
.Ltmp1:
0x15: {  	_ = 	snop;
	(pc) =	sbr.rel @!p0 .LBB2_11-.Ltmp1, $3  }
0x16: {  	_ =	sdelay $0x1  }
0x17: {  	[sflag:s24] =	ssyncset.done $0x0  }
0x18: {  	[sflag:s24] =	ssyncadd.s32 $0xFFFF3800  }
.LBB2_1:
0x19: {  	s31 =	sadd.s32 $0xFFFFFFD0, s10;
	v2 =	vor.u32 s10, v0  }
0x1a: {  	s1 =	sadd.s32 $0xFFFFFFE0, s10;
	v3 =	vor.u32 s31, v0;
	v4 =	vmulhi.u32 $0x51EB851F, v2  }
0x1b: {  	s6 =	sadd.s32 $0xFFFFFFF0, s10;
	v5 =	vor.u32 s1, v0;
	v6 =	vmulhi.u32 $0x51EB851F, v3  }
0x1c: {  	v7 =	vor.u32 s6, v0;
	v8 =	vmulhi.u32 $0x51EB851F, v5  }
0x1d: {  	v16 =	vmov s31;
	v11 =	vmulhi.u32 $0x51EB851F, v7  }
0x1e: {  	s0 =	rddreg [dreg:$0x4];
	v17 =	vsub.s32 $0x0, v3;
	vm0 =	veq.s32 v16, v0;
	v9 =	vshrl.u32 v4, $0x4  }
0x1f: {  	[tilespmem:s4], [sflag:$0x5] =	stream.linear.gather [hbm4b:s0+s4], $0x640, $0x38;
	v10 =	vshrl.u32 v4, $0x2;
	v21 =	vshrl.u32 v4, $0x10;
	v6 =	vshrl.u32 v6, $0x4;
	[tilespmem:$0x1B580] =	vst v63  }
0x20: {  	_ =	swait.ge [sflag:s13], $0x640;
	v9 =	vmul.u32 $0x3FFCE, v9;
	v14 =	vshrl.u32 v8, $0x4;
	v15 =	vshrl.u32 v8, $0x2  }
0x21: {  	[sflag:s13] =	ssyncset.done $0x0;
	v18 =	vshrl.u32 v11, $0x4;
	v52 =	vshrl.u32 v11, $0x2;
	v8 =	vshrl.u32 v8, $0x10  }
0x22: {  	s26 =	simm.s32 $0x20;
	[sflag:s13] =	ssyncadd.s32 $0xFFFFF9C0;
	v11 =	vshrl.u32 v11, $0x10;
	v10 =	vand.u32 $0x3FFC, v10;
	v13 =	vmul.u32 $0xFFFFFFCE, v6  }
0x23: {  	v12 =	vld [tilespmem:s26+$0xFFFFFFE0];
	v50 =	vmul.u32 $0x3FFCE, v14;
	v51 =	vmul.u32 $0x3FFCE, v18;
	v15 =	vand.u32 $0x3FFC, v15  }
0x24: {  	v53 =	vld [tilespmem:s26+$0xFFFFFFF0];
	v16 =	vand.u32 $0x3FFC, v52;
	v2 =	vadd.s32 v2, v9;
	v4 =	vadd.s32 v8, v15  }
0x25: {  	v56 =	vld [tilespmem:s26+$0x10];
	v11 =	vadd.s32 v11, v16;
	vm1 =	vne.s32 v13, v17;
	v5 =	vadd.s32 v5, v50  }
0x26: {  	v7 =	vadd.s32 v7, v51;
	v2 =	vshll.u32 v2, $0xE;
	vm0 =	vmand vm0, vm1  }
0x27: {  	v5 =	vshll.u32 v5, $0xE;
	v62 =	vshll.u32 v7, $0xE;
	v7 =	vadd.s32 v21, v10  }
0x28: {  	v9 =	vld [tilespmem:s26+$0x0];
	v54 =	vsel vm0, $0xFFFFFFFF, v1;
	v4 =	vadd.s32 v5, v4;
	v5 =	vadd.s32 v62, v11  }
0x29: {  	v55 =	vand.u32 $0xFFFF8000, v12;
	v19 =	vshll.u32 v12, $0x2;
	v6 =	vadd.s32 v54, v6  }
0x2a: {  	v12 =	vshrl.u32 v12, $0xD;
	v59 =	vshll.u32 v56, $0x2;
	v60 =	vand.u32 $0xFFFF8000, v53  }
0x2b: {  	v17 =	vshrl.u32 v53, $0xD;
	v18 =	vshrl.u32 v56, $0xD;
	v19 =	vand.u32 $0x7FFC, v19  }
0x2c: {  	v20 =	vmul.u32 $0x3FFCE, v6;
	v12 =	vand.u32 $0x3, v12;
	v57 =	vshll.u32 v6, $0x2  }
0x2d: {  	v6 =	vshra.s32 v6, $0xC;
	v58 =	vshll.u32 v9, $0x2;
	v14 =	vand.u32 $0x7FFC, v59  }
0x2e: {  	v61 =	vand.u32 $0xFFFF8000, v9;
	v9 =	vshrl.u32 v9, $0xD;
	v17 =	vand.u32 $0x3, v17  }
0x2f: {  	v13 =	vor.u32 v55, v19;
	v19 =	vand.u32 $0x3FFC, v57;
	v3 =	vadd.s32 v3, v20  }
0x30: {  	v8 =	vand.u32 $0x3, v18;
	v6 =	vadd.s32 v6, v19;
	v3 =	vshll.u32 v3, $0xE  }
0x31: {  	v63 =	vand.u32 $0x3, v9;
	v6 =	vadd.s32 v3, v6;
	v3 =	vshll.u32 v53, $0x2  }
0x32: {  	s28 =	simm.s32 $0xCA0;
	v12 =	vor.u32 v12, v13;
	v13 =	vand.u32 $0x7FFC, v58;
	v3 =	vand.u32 $0x7FFC, v3  }
0x33: {  	s29 =	simm.s32 $0x1920;
	v13 =	vor.u32 v61, v13;
	[tilespmem:s28+$0xFFFFFFE0] =	vst v12;
	v19 =	vor.u32 v60, v3;
	v3 =	vand.u32 $0xFFFF8000, v56  }
0x34: {  	s30 =	sadd.s32 $0x40, s10;
	s1 =	simm.s32 $0x0;
	[tilespmem:s29+$0xFFFFFFE0] =	vst v6;
	v6 =	vor.u32 v63, v13;
	v3 =	vor.u32 v3, v14;
	v9 =	vor.u32 v17, v19  }
.LBB2_2:
0x35: {  	s0 =	sadd.s32 $0xFFFFFFD0, s30;
	s6 =	sadd.s32 $0xFFFFFFE0, s30;
	v10 =	vor.u32 s30, v0;
	s1 =	sadd.s32 $0x4, s1;
	[tilespmem:s28+$0xFFFFFFF0] =	vst v9;
	v3 =	vor.u32 v8, v3;
	v2 =	vadd.s32 v2, v7  }
0x36: {  	v7 =	vor.u32 s0, v0;
	v8 =	vor.u32 s6, v0;
	s6 =	sadd.s32 $0xFFFFFFF0, s30;
	v9 =	vmulhi.u32 $0x51EB851F, v10;
	p0 =	slt.u32 s1, $0x60;
	[tilespmem:s29+$0xFFFFFFF0] =	vst v4  }
0x37: {  	v4 =	vmulhi.u32 $0x51EB851F, v7;
	v11 =	vor.u32 s6, v0;
	[tilespmem:s28+$0x0] =	vst v6  }
0x38: {  	v6 =	vmulhi.u32 $0x51EB851F, v8;
	v12 =	vshrl.u32 v9, $0x4;
	v13 =	vshrl.u32 v9, $0x2;
	[tilespmem:s29+$0x0] =	vst v5  }
0x39: {  	s26 =	sadd.s32 $0x40, s26;
	v5 =	vmulhi.u32 $0x51EB851F, v11;
	v4 =	vshrl.u32 v4, $0x4;
	v12 =	vmul.u32 $0x3FFCE, v12;
	[tilespmem:s28+$0x10] =	vst v3  }
0x3a: {  	v15 =	vshrl.u32 v6, $0x4;
	v16 =	vshrl.u32 v6, $0x2;
	v3 =	vld [tilespmem:s26+$0xFFFFFFE0];
	v14 =	vmul.u32 $0xFFFFFFCE, v4;
	[tilespmem:s29+$0x10] =	vst v2  }
0x3b: {  	v17 =	vsub.s32 $0x0, v7;
	v2 =	vmov s0;
	v19 =	vshrl.u32 v5, $0x4;
	v18 =	vld [tilespmem:s26+$0xFFFFFFF0]  }
0x3c: {  	vm0 =	veq.s32 v2, v0;
	v2 =	vmul.u32 $0x3FFCE, v15;
	vm1 =	vne.s32 v14, v17;
	v14 =	vld [tilespmem:s26+$0x0]  }
0x3d: {  	v15 =	vmul.u32 $0x3FFCE, v19;
	v17 =	vshrl.u32 v5, $0x2;
	vm0 =	vmand vm0, vm1;
	v19 =	vld [tilespmem:s26+$0x10]  }
0x3e: {  	v2 =	vadd.s32 v8, v2;
	v8 =	vadd.s32 v10, v12;
	v20 =	vsel vm0, $0xFFFFFFFF, v1  }
0x3f: {  	v10 =	vand.u32 $0xFFFF8000, v3;
	v12 =	vshll.u32 v3, $0x2;
	v4 =	vadd.s32 v20, v4  }
0x40: {  	v3 =	vshrl.u32 v3, $0xD;
	v12 =	vand.u32 $0x7FFC, v12;
	v20 =	vmul.u32 $0x3FFCE, v4  }
0x41: {  	v3 =	vand.u32 $0x3, v3;
	v10 =	vor.u32 v10, v12;
	v12 =	vshll.u32 v4, $0x2  }
0x42: {  	v4 =	vshra.s32 v4, $0xC;
	v7 =	vadd.s32 v7, v20;
	v12 =	vand.u32 $0x3FFC, v12  }
0x43: {  	s28 =	sadd.s32 $0x40, s28;
	v3 =	vor.u32 v3, v10;
	v7 =	vshll.u32 v7, $0xE;
	v4 =	vadd.s32 v4, v12  }
0x44: {  	s29 =	sadd.s32 $0x40, s29;
	[tilespmem:s28+$0xFFFFFFE0] =	vst v3;
	v3 =	vadd.s32 v7, v4;
	v4 =	vshll.u32 v18, $0x2;
	v7 =	vshll.u32 v14, $0x2  }
0x45: {  	v10 =	vshll.u32 v19, $0x2;
	[tilespmem:s29+$0xFFFFFFE0] =	vst v3;
	v3 =	vand.u32 $0x7FFC, v4;
	v4 =	vadd.s32 v11, v15  }
0x46: {  	v10 =	vand.u32 $0x7FFC, v10;
	v11 =	vand.u32 $0xFFFF8000, v18;
	v7 =	vand.u32 $0x7FFC, v7  }
0x47: {  	v12 =	vshrl.u32 v18, $0xD;
	v15 =	vand.u32 $0x3FFC, v16;
	v16 =	vand.u32 $0xFFFF8000, v14  }
0x48: {  	v17 =	vand.u32 $0x3FFC, v17;
	v14 =	vshrl.u32 v14, $0xD;
	v18 =	vand.u32 $0xFFFF8000, v19  }
0x49: {  	v6 =	vshrl.u32 v6, $0x10;
	v5 =	vshrl.u32 v5, $0x10;
	v19 =	vshrl.u32 v19, $0xD  }
0x4a: {  	v9 =	vshrl.u32 v9, $0x10;
	v13 =	vand.u32 $0x3FFC, v13;
	v20 =	vshll.u32 v2, $0xE  }
.Ltmp2:
0x4b: {  	v11 =	vor.u32 v11, v3;
	v16 =	vor.u32 v16, v7;
	v21 =	vshll.u32 v4, $0xE;
	(pc) =	sbr.rel @p0 .LBB2_2-.Ltmp2, $4  }
0x4c: {  	v2 =	vshll.u32 v8, $0xE;
	v12 =	vand.u32 $0x3, v12;
	v3 =	vor.u32 v18, v10  }
0x4d: {  	v5 =	vadd.s32 v5, v17;
	v4 =	vadd.s32 v6, v15;
	v6 =	vand.u32 $0x3, v14  }
0x4e: {  	v8 =	vand.u32 $0x3, v19;
	v7 =	vadd.s32 v9, v13;
	v4 =	vadd.s32 v20, v4  }
0x4f: {  	s30 =	sadd.s32 $0x40, s30;
	v9 =	vor.u32 v12, v11;
	v6 =	vor.u32 v6, v16;
	v5 =	vadd.s32 v21, v5  }
0x50: {  	[tilespmem:s28+$0xFFFFFFF0] =	vst v9  }
0x51: {  	[tilespmem:s28+$0x0] =	vst v6  }
0x52: {  	[tilespmem:s29+$0xFFFFFFF0] =	vst v4  }
0x53: {  	v3 =	vor.u32 v8, v3;
	[tilespmem:s29+$0x0] =	vst v5  }
0x54: {  	v2 =	vadd.s32 v2, v7;
	[tilespmem:s28+$0x10] =	vst v3  }
0x55: {  	[tilespmem:s29+$0x10] =	vst v2  }
0x56: {  	[tilespmem:s16], [sflag:$0x1] =	stream.indirect.gather [hbm4b:s5+s14], $0x20, s15, s14, $0xb8;
	[tilespmem:$0x1B580] =	vst v63  }
0x57: {  	s28 =	rddreg [dreg:$0x7]  }
0x58: {  	s26 =	simm.s32 $0x0;
	s29 =	rddreg [dreg:$0x6]  }
.LBB2_4:
0x59: {  	_ =	swait.ge [sflag:s17], $0xC800  }
0x5a: {  	p0 =	seq.s32 s26, $0x0;
	s30 =	smul.u32 $0xC80, s26;
	[sflag:s17] =	ssyncset.done $0x0  }
0x5b: {  	s0 =	simm.s32 @!p0 $0x4;
	[sflag:s17] =	ssyncadd.s32 $0xFFFF3800  }
0x5c: {  	s1 =	sadd.s32 s30, s7;
	_ =	swait.ge @!p0 [sflag:s0], $0xC800  }
0x5d: {  	s12 =	sadd.s32 $0xFFFFFFF0, s29;
	s1 =	sshrl.u32 s1, $0x3;
	[sflag:s0] =	ssyncset.done @!p0 $0x0  }
0x5e: {  	v3 =	vor.u32 s29, v0;
	s6 =	sadd.s32 $0xFFFFFFD0, s29;
	s9 =	sadd.s32 s2, s1;
	[sflag:s0] =	ssyncadd.s32 @!p0 $0xFFFF3800  }
0x5f: {  	v4 =	vor.u32 s12, v0;
	v5 =	vmulhi.u32 $0x51EB851F, v3;
	[tilespmem:s14], [sflag:$0x5] =	stream.linear.gather [hbm4b:s9+s4], $0x640, $0x38;
	[tilespmem:$0x1B580] =	vst v63  }
0x60: {  	v6 =	vor.u32 s6, v0;
	v8 =	vmulhi.u32 $0x51EB851F, v4;
	_ =	swait.ge [sflag:s13], $0x640  }
0x61: {  	v9 =	vmulhi.u32 $0x51EB851F, v6;
	[sflag:s13] =	ssyncset.done $0x0  }
0x62: {  	s11 =	simm.s32 $0x660;
	v10 =	vshrl.u32 v5, $0x4;
	v11 =	vshrl.u32 v5, $0x2;
	v12 =	vshrl.u32 v8, $0x4;
	[sflag:s13] =	ssyncadd.s32 $0xFFFFF9C0  }
0x63: {  	v5 =	vshrl.u32 v5, $0x10;
	v13 =	vshrl.u32 v8, $0x2;
	v12 =	vmul.u32 $0x3FFCE, v12;
	v2 =	vld [tilespmem:s11+$0x0]  }
0x64: {  	v8 =	vshrl.u32 v8, $0x10;
	v10 =	vmul.u32 $0x3FFCE, v10;
	v11 =	vand.u32 $0x3FFC, v11;
	s9 =	sadd.s32 $0xFFFFFFE0, s29;
	v14 =	vld [tilespmem:s11+$0xFFFFFFE0]  }
0x65: {  	v13 =	vand.u32 $0x3FFC, v13;
	v7 =	vor.u32 s9, v0;
	v4 =	vadd.s32 v4, v12;
	v17 =	vld [tilespmem:s11+$0xFFFFFFF0]  }
0x66: {  	v8 =	vadd.s32 v8, v13;
	v4 =	vshll.u32 v4, $0xE;
	v58 =	vmulhi.u32 $0x51EB851F, v7  }
0x67: {  	v5 =	vadd.s32 v5, v11;
	v10 =	vadd.s32 v3, v10;
	v60 =	vadd.s32 v4, v8  }
0x68: {  	v61 =	vshrl.u32 v58, $0x4;
	v62 =	vshrl.u32 v58, $0x2;
	v12 =	vshrl.u32 v58, $0x10  }
0x69: {  	v15 =	vand.u32 $0xFFFF8000, v2;
	v16 =	vshll.u32 v2, $0x2;
	v2 =	vshrl.u32 v2, $0xD  }
0x6a: {  	v4 =	vshll.u32 v14, $0x2;
	v19 =	vshll.u32 v17, $0x2;
	v3 =	vand.u32 $0xFFFF8000, v14  }
0x6b: {  	v14 =	vshrl.u32 v14, $0xD;
	v16 =	vand.u32 $0x7FFC, v16;
	v2 =	vand.u32 $0x3, v2  }
0x6c: {  	v18 =	vld [tilespmem:s11+$0x10];
	v4 =	vand.u32 $0x7FFC, v4;
	v19 =	vand.u32 $0x7FFC, v19;
	v15 =	vor.u32 v15, v16  }
0x6d: {  	v16 =	vmul.u32 $0x3FFCE, v61;
	v59 =	vor.u32 v2, v15;
	v2 =	vshrl.u32 v9, $0x4  }
0x6e: {  	v21 =	vor.u32 v3, v4;
	v9 =	vshrl.u32 v9, $0x2;
	v8 =	vmul.u32 $0x3FFCE, v2  }
0x6f: {  	v7 =	vadd.s32 v7, v16;
	v9 =	vand.u32 $0x3FFC, v9;
	v20 =	vshrl.u32 v2, $0xC  }
0x70: {  	v2 =	vand.u32 $0xFFFF8000, v17;
	v17 =	vshrl.u32 v17, $0xD;
	v16 =	vand.u32 $0x3FFC, v62  }
0x71: {  	v3 =	vor.u32 v2, v19;
	v2 =	vand.u32 $0xFFFF8000, v18;
	v63 =	vshll.u32 v7, $0xE  }
0x72: {  	v9 =	vadd.s32 v20, v9;
	v6 =	vadd.s32 v6, v8;
	v8 =	vshll.u32 v18, $0x2  }
0x73: {  	v7 =	vand.u32 $0x3, v17;
	v12 =	vadd.s32 v12, v16;
	v8 =	vand.u32 $0x7FFC, v8  }
0x74: {  	s31 =	simm.s32 $0x12E0;
	v18 =	vshrl.u32 v18, $0xD;
	v6 =	vshll.u32 v6, $0xE;
	v4 =	vor.u32 v2, v8  }
0x75: {  	s1 =	simm.s32 $0x1F60;
	[tilespmem:s31+$0x0] =	vst v59;
	v2 =	vshll.u32 v10, $0xE;
	v10 =	vand.u32 $0x3, v14;
	v8 =	vand.u32 $0x3, v18  }
0x76: {  	s6 =	sadd.s32 $0x40, s29;
	s0 =	simm.s32 $0x0;
	s9 =	simm.s32 $0x6A0;
	[tilespmem:s1+$0x0] =	vst v60;
	v9 =	vadd.s32 v6, v9;
	v6 =	vadd.s32 v63, v12;
	v10 =	vor.u32 v10, v21  }
.LBB2_5:
0x77: {  	s11 =	sadd.s32 $0xFFFFFFD0, s6;
	v11 =	vld [tilespmem:s9+$0x0];
	s12 =	sadd.s32 $0xFFFFFFF0, s6;
	v12 =	vor.u32 s6, v0;
	s0 =	sadd.s32 $0x4, s0;
	[tilespmem:s31+$0xFFFFFFE0] =	vst v10;
	v3 =	vor.u32 v7, v3;
	v4 =	vor.u32 v8, v4  }
0x78: {  	v7 =	vor.u32 s11, v0;
	v8 =	vld [tilespmem:s9+$0xFFFFFFF0];
	s11 =	sadd.s32 $0xFFFFFFE0, s6;
	v10 =	vor.u32 s12, v0;
	v13 =	vmulhi.u32 $0x51EB851F, v12;
	p0 =	slt.u32 s0, $0x60;
	[tilespmem:s1+$0xFFFFFFE0] =	vst v9  }
0x79: {  	v2 =	vadd.s32 v2, v5;
	v9 =	vor.u32 s11, v0;
	v14 =	vmulhi.u32 $0x51EB851F, v10;
	v15 =	vld [tilespmem:s9+$0x10];
	[tilespmem:s31+$0xFFFFFFF0] =	vst v3  }
0x7a: {  	v5 =	vmulhi.u32 $0x51EB851F, v7;
	v3 =	vld [tilespmem:s9+$0xFFFFFFE0];
	v16 =	vshrl.u32 v13, $0x4;
	v17 =	vshrl.u32 v13, $0x2;
	[tilespmem:s1+$0xFFFFFFF0] =	vst v6  }
0x7b: {  	v6 =	vshrl.u32 v14, $0x4;
	v18 =	vshrl.u32 v14, $0x2;
	v14 =	vshrl.u32 v14, $0x10;
	[tilespmem:s31+$0x10] =	vst v4  }
0x7c: {  	v4 =	vand.u32 $0xFFFF8000, v11;
	v19 =	vshll.u32 v11, $0x2;
	v6 =	vmul.u32 $0x3FFCE, v6;
	[tilespmem:s1+$0x10] =	vst v2  }
0x7d: {  	v11 =	vshrl.u32 v11, $0xD;
	v18 =	vand.u32 $0x3FFC, v18;
	v2 =	vand.u32 $0x7FFC, v19  }
0x7e: {  	v2 =	vor.u32 v4, v2;
	v4 =	vand.u32 $0x3, v11;
	v6 =	vadd.s32 v10, v6  }
0x7f: {  	s31 =	sadd.s32 $0x40, s31;
	v2 =	vor.u32 v4, v2;
	v4 =	vshll.u32 v6, $0xE;
	v6 =	vadd.s32 v14, v18  }
0x80: {  	s1 =	sadd.s32 $0x40, s1;
	v10 =	vshrl.u32 v5, $0x4;
	v11 =	vmulhi.u32 $0x51EB851F, v9;
	[tilespmem:s31+$0x0] =	vst v2;
	v2 =	vadd.s32 v4, v6  }
0x81: {  	v4 =	vshll.u32 v3, $0x2;
	v6 =	vmul.u32 $0x3FFCE, v10;
	[tilespmem:s1+$0x0] =	vst v2;
	v2 =	vmul.u32 $0x3FFCE, v16  }
0x82: {  	v14 =	vshll.u32 v8, $0x2;
	v18 =	vshll.u32 v15, $0x2;
	v16 =	vshrl.u32 v11, $0x4  }
0x83: {  	v5 =	vshrl.u32 v5, $0x2;
	v19 =	vshrl.u32 v11, $0x2;
	v16 =	vmul.u32 $0x3FFCE, v16  }
0x84: {  	v4 =	vand.u32 $0x7FFC, v4;
	v6 =	vadd.s32 v7, v6;
	v7 =	vand.u32 $0x7FFC, v14  }
0x85: {  	v14 =	vand.u32 $0x7FFC, v18;
	v2 =	vadd.s32 v12, v2;
	v9 =	vadd.s32 v9, v16  }
0x86: {  	v5 =	vand.u32 $0x3FFC, v5;
	v12 =	vand.u32 $0xFFFF8000, v3;
	v16 =	vshrl.u32 v3, $0xD  }
0x87: {  	v10 =	vshrl.u32 v10, $0xC;
	v3 =	vand.u32 $0xFFFF8000, v8;
	v8 =	vshrl.u32 v8, $0xD  }
0x88: {  	v18 =	vand.u32 $0x3FFC, v19;
	v19 =	vand.u32 $0xFFFF8000, v15;
	v15 =	vshrl.u32 v15, $0xD  }
0x89: {  	v13 =	vshrl.u32 v13, $0x10;
	v17 =	vand.u32 $0x3FFC, v17;
	v11 =	vshrl.u32 v11, $0x10  }
.Ltmp3:
0x8a: {  	v6 =	vshll.u32 v6, $0xE;
	v12 =	vor.u32 v12, v4;
	v20 =	vshll.u32 v9, $0xE;
	(pc) =	sbr.rel @p0 .LBB2_5-.Ltmp3, $4  }
0x8b: {  	v4 =	vor.u32 v19, v14;
	v2 =	vshll.u32 v2, $0xE;
	v3 =	vor.u32 v3, v7  }
0x8c: {  	v14 =	vadd.s32 v10, v5;
	v9 =	vand.u32 $0x3, v16;
	v7 =	vand.u32 $0x3, v8  }
0x8d: {  	v11 =	vadd.s32 v11, v18;
	v5 =	vadd.s32 v13, v17;
	v8 =	vand.u32 $0x3, v15  }
0x8e: {  	s6 =	sadd.s32 $0x40, s6;
	s9 =	sadd.s32 $0x40, s9;
	v10 =	vor.u32 v9, v12;
	v9 =	vadd.s32 v6, v14;
	v6 =	vadd.s32 v20, v11  }
0x8f: {  	[tilespmem:s31+$0xFFFFFFE0] =	vst v10  }
0x90: {  	v3 =	vor.u32 v7, v3;
	[tilespmem:s1+$0xFFFFFFE0] =	vst v9  }
0x91: {  	[tilespmem:s31+$0xFFFFFFF0] =	vst v3  }
0x92: {  	v3 =	vor.u32 v8, v4;
	[tilespmem:s1+$0xFFFFFFF0] =	vst v6  }
0x93: {  	v2 =	vadd.s32 v2, v5;
	[tilespmem:s31+$0x10] =	vst v3  }
0x94: {  	[tilespmem:s1+$0x10] =	vst v2  }
0x95: {  	[tilespmem:s19], [sflag:$0x2] =	stream.indirect.gather [hbm4b:s5+s14], $0x20, s18, s14, $0xb8;
	[tilespmem:$0x1B580] =	vst v63  }
0x96: {  	_ = 	snop  }
0x97: {  	[hbm4b:s3+s14] =	stream.indirect.scatter [tilespmem:s16], [sflag:$0x3], $0x20, s20, s14, $0xb8;
	[tilespmem:$0x1B580] =	vst v63  }
0x98: {  	p0 =	seq.s32 s26, $0x7;
	_ =	swait.ge [sflag:s21], $0xC800  }
.Ltmp4:
0x99: {  	[sflag:s21] =	ssyncset.done $0x0;
	(pc) =	sbr.rel @p0 .LBB2_10-.Ltmp4, $4  }
0x9a: {  	[sflag:s21] =	ssyncadd.s32 $0xFFFF3800  }
0x9b: {  	_ =	swait.ge [sflag:s22], $0xC800  }
0x9c: {  	[sflag:s22] =	ssyncset.done $0x0  }
0x9d: {  	[sflag:s22] =	ssyncadd.s32 $0xFFFF3800  }
0x9e: {  	s0 =	sadd.s32 s30, s8  }
0x9f: {  	s0 =	sshrl.u32 s0, $0x3  }
0xa0: {  	s1 =	sadd.s32 $0xFFFFFFF0, s28;
	v3 =	vor.u32 s28, v0;
	s6 =	sadd.s32 $0xFFFFFFD0, s28;
	s0 =	sadd.s32 s2, s0  }
0xa1: {  	v4 =	vor.u32 s1, v0;
	v5 =	vmulhi.u32 $0x51EB851F, v3;
	[tilespmem:s4], [sflag:$0x5] =	stream.linear.gather [hbm4b:s0+s4], $0x640, $0x38;
	[tilespmem:$0x1B580] =	vst v63  }
0xa2: {  	s9 =	sadd.s32 $0xFFFFFFE0, s28;
	v6 =	vor.u32 s6, v0;
	v8 =	vmulhi.u32 $0x51EB851F, v4;
	_ =	swait.ge [sflag:s13], $0x640  }
0xa3: {  	v7 =	vor.u32 s9, v0;
	v9 =	vmulhi.u32 $0x51EB851F, v6;
	[sflag:s13] =	ssyncset.done $0x0  }
0xa4: {  	s31 =	simm.s32 $0x20;
	v58 =	vmulhi.u32 $0x51EB851F, v7;
	v10 =	vshrl.u32 v5, $0x4;
	[sflag:s13] =	ssyncadd.s32 $0xFFFFF9C0  }
0xa5: {  	v11 =	vshrl.u32 v5, $0x2;
	v5 =	vshrl.u32 v5, $0x10;
	v12 =	vshrl.u32 v8, $0x4;
	v2 =	vld [tilespmem:s31+$0x0]  }
0xa6: {  	v13 =	vshrl.u32 v8, $0x2;
	v8 =	vshrl.u32 v8, $0x10;
	v12 =	vmul.u32 $0x3FFCE, v12;
	v14 =	vld [tilespmem:s31+$0xFFFFFFE0]  }
0xa7: {  	v61 =	vshrl.u32 v58, $0x4;
	v10 =	vmul.u32 $0x3FFCE, v10;
	v62 =	vshrl.u32 v58, $0x2;
	v17 =	vld [tilespmem:s31+$0xFFFFFFF0]  }
0xa8: {  	v11 =	vand.u32 $0x3FFC, v11;
	v13 =	vand.u32 $0x3FFC, v13;
	v4 =	vadd.s32 v4, v12  }
0xa9: {  	v5 =	vadd.s32 v5, v11;
	v8 =	vadd.s32 v8, v13;
	v4 =	vshll.u32 v4, $0xE  }
0xaa: {  	v10 =	vadd.s32 v3, v10;
	v12 =	vshrl.u32 v58, $0x10;
	v60 =	vadd.s32 v4, v8  }
0xab: {  	v15 =	vand.u32 $0xFFFF8000, v2;
	v16 =	vshll.u32 v2, $0x2;
	v2 =	vshrl.u32 v2, $0xD  }
0xac: {  	v4 =	vshll.u32 v14, $0x2;
	v19 =	vshll.u32 v17, $0x2;
	v3 =	vand.u32 $0xFFFF8000, v14  }
0xad: {  	v14 =	vshrl.u32 v14, $0xD;
	v16 =	vand.u32 $0x7FFC, v16;
	v2 =	vand.u32 $0x3, v2  }
0xae: {  	v18 =	vld [tilespmem:s31+$0x10];
	v4 =	vand.u32 $0x7FFC, v4;
	v19 =	vand.u32 $0x7FFC, v19;
	v15 =	vor.u32 v15, v16  }
0xaf: {  	v16 =	vmul.u32 $0x3FFCE, v61;
	v59 =	vor.u32 v2, v15;
	v2 =	vshrl.u32 v9, $0x4  }
0xb0: {  	v21 =	vor.u32 v3, v4;
	v9 =	vshrl.u32 v9, $0x2;
	v8 =	vmul.u32 $0x3FFCE, v2  }
0xb1: {  	v7 =	vadd.s32 v7, v16;
	v9 =	vand.u32 $0x3FFC, v9;
	v20 =	vshrl.u32 v2, $0xC  }
0xb2: {  	v2 =	vand.u32 $0xFFFF8000, v17;
	v17 =	vshrl.u32 v17, $0xD;
	v16 =	vand.u32 $0x3FFC, v62  }
0xb3: {  	v3 =	vor.u32 v2, v19;
	v2 =	vand.u32 $0xFFFF8000, v18;
	v63 =	vshll.u32 v7, $0xE  }
0xb4: {  	v9 =	vadd.s32 v20, v9;
	v6 =	vadd.s32 v6, v8;
	v8 =	vshll.u32 v18, $0x2  }
0xb5: {  	v7 =	vand.u32 $0x3, v17;
	v12 =	vadd.s32 v12, v16;
	v8 =	vand.u32 $0x7FFC, v8  }
0xb6: {  	s30 =	simm.s32 $0xCA0;
	v18 =	vshrl.u32 v18, $0xD;
	v6 =	vshll.u32 v6, $0xE;
	v4 =	vor.u32 v2, v8  }
0xb7: {  	s1 =	simm.s32 $0x1920;
	[tilespmem:s30+$0x0] =	vst v59;
	v2 =	vshll.u32 v10, $0xE;
	v10 =	vand.u32 $0x3, v14;
	v8 =	vand.u32 $0x3, v18  }
0xb8: {  	s6 =	sadd.s32 $0x40, s28;
	s9 =	simm.s32 $0x60;
	s0 =	simm.s32 $0x0;
	[tilespmem:s1+$0x0] =	vst v60;
	v9 =	vadd.s32 v6, v9;
	v6 =	vadd.s32 v63, v12;
	v10 =	vor.u32 v10, v21  }
.LBB2_8:
0xb9: {  	s11 =	sadd.s32 $0xFFFFFFD0, s6;
	v11 =	vld [tilespmem:s9+$0x0];
	s12 =	sadd.s32 $0xFFFFFFF0, s6;
	v12 =	vor.u32 s6, v0;
	s0 =	sadd.s32 $0x4, s0;
	[tilespmem:s30+$0xFFFFFFE0] =	vst v10;
	v3 =	vor.u32 v7, v3;
	v4 =	vor.u32 v8, v4  }
0xba: {  	v7 =	vor.u32 s11, v0;
	v8 =	vld [tilespmem:s9+$0xFFFFFFF0];
	s11 =	sadd.s32 $0xFFFFFFE0, s6;
	v10 =	vor.u32 s12, v0;
	v13 =	vmulhi.u32 $0x51EB851F, v12;
	p0 =	slt.u32 s0, $0x60;
	[tilespmem:s1+$0xFFFFFFE0] =	vst v9  }
0xbb: {  	v2 =	vadd.s32 v2, v5;
	v9 =	vor.u32 s11, v0;
	v14 =	vmulhi.u32 $0x51EB851F, v10;
	v15 =	vld [tilespmem:s9+$0x10];
	[tilespmem:s30+$0xFFFFFFF0] =	vst v3  }
0xbc: {  	v5 =	vmulhi.u32 $0x51EB851F, v7;
	v3 =	vld [tilespmem:s9+$0xFFFFFFE0];
	v16 =	vshrl.u32 v13, $0x4;
	v17 =	vshrl.u32 v13, $0x2;
	[tilespmem:s1+$0xFFFFFFF0] =	vst v6  }
0xbd: {  	v6 =	vshrl.u32 v14, $0x4;
	v18 =	vshrl.u32 v14, $0x2;
	v14 =	vshrl.u32 v14, $0x10;
	[tilespmem:s30+$0x10] =	vst v4  }
0xbe: {  	v4 =	vand.u32 $0xFFFF8000, v11;
	v19 =	vshll.u32 v11, $0x2;
	v6 =	vmul.u32 $0x3FFCE, v6;
	[tilespmem:s1+$0x10] =	vst v2  }
0xbf: {  	v11 =	vshrl.u32 v11, $0xD;
	v18 =	vand.u32 $0x3FFC, v18;
	v2 =	vand.u32 $0x7FFC, v19  }
0xc0: {  	v2 =	vor.u32 v4, v2;
	v4 =	vand.u32 $0x3, v11;
	v6 =	vadd.s32 v10, v6  }
0xc1: {  	s30 =	sadd.s32 $0x40, s30;
	v2 =	vor.u32 v4, v2;
	v4 =	vshll.u32 v6, $0xE;
	v6 =	vadd.s32 v14, v18  }
0xc2: {  	s1 =	sadd.s32 $0x40, s1;
	v10 =	vshrl.u32 v5, $0x4;
	v11 =	vmulhi.u32 $0x51EB851F, v9;
	[tilespmem:s30+$0x0] =	vst v2;
	v2 =	vadd.s32 v4, v6  }
0xc3: {  	v4 =	vshll.u32 v3, $0x2;
	v6 =	vmul.u32 $0x3FFCE, v10;
	[tilespmem:s1+$0x0] =	vst v2;
	v2 =	vmul.u32 $0x3FFCE, v16  }
0xc4: {  	v14 =	vshll.u32 v8, $0x2;
	v18 =	vshll.u32 v15, $0x2;
	v16 =	vshrl.u32 v11, $0x4  }
0xc5: {  	v5 =	vshrl.u32 v5, $0x2;
	v19 =	vshrl.u32 v11, $0x2;
	v16 =	vmul.u32 $0x3FFCE, v16  }
0xc6: {  	v4 =	vand.u32 $0x7FFC, v4;
	v6 =	vadd.s32 v7, v6;
	v7 =	vand.u32 $0x7FFC, v14  }
0xc7: {  	v14 =	vand.u32 $0x7FFC, v18;
	v2 =	vadd.s32 v12, v2;
	v9 =	vadd.s32 v9, v16  }
0xc8: {  	v5 =	vand.u32 $0x3FFC, v5;
	v12 =	vand.u32 $0xFFFF8000, v3;
	v16 =	vshrl.u32 v3, $0xD  }
0xc9: {  	v10 =	vshrl.u32 v10, $0xC;
	v3 =	vand.u32 $0xFFFF8000, v8;
	v8 =	vshrl.u32 v8, $0xD  }
0xca: {  	v18 =	vand.u32 $0x3FFC, v19;
	v19 =	vand.u32 $0xFFFF8000, v15;
	v15 =	vshrl.u32 v15, $0xD  }
0xcb: {  	v13 =	vshrl.u32 v13, $0x10;
	v17 =	vand.u32 $0x3FFC, v17;
	v11 =	vshrl.u32 v11, $0x10  }
.Ltmp5:
0xcc: {  	v6 =	vshll.u32 v6, $0xE;
	v12 =	vor.u32 v12, v4;
	v20 =	vshll.u32 v9, $0xE;
	(pc) =	sbr.rel @p0 .LBB2_8-.Ltmp5, $4  }
0xcd: {  	v4 =	vor.u32 v19, v14;
	v2 =	vshll.u32 v2, $0xE;
	v3 =	vor.u32 v3, v7  }
0xce: {  	v14 =	vadd.s32 v10, v5;
	v9 =	vand.u32 $0x3, v16;
	v7 =	vand.u32 $0x3, v8  }
0xcf: {  	v11 =	vadd.s32 v11, v18;
	v5 =	vadd.s32 v13, v17;
	v8 =	vand.u32 $0x3, v15  }
0xd0: {  	s6 =	sadd.s32 $0x40, s6;
	s9 =	sadd.s32 $0x40, s9;
	v10 =	vor.u32 v9, v12;
	v9 =	vadd.s32 v6, v14;
	v6 =	vadd.s32 v20, v11  }
0xd1: {  	[tilespmem:s30+$0xFFFFFFE0] =	vst v10  }
0xd2: {  	v3 =	vor.u32 v7, v3;
	[tilespmem:s1+$0xFFFFFFE0] =	vst v9  }
0xd3: {  	[tilespmem:s30+$0xFFFFFFF0] =	vst v3  }
0xd4: {  	v3 =	vor.u32 v8, v4;
	[tilespmem:s1+$0xFFFFFFF0] =	vst v6  }
.Ltmp6:
0xd5: {  	v2 =	vadd.s32 v2, v5;
	[tilespmem:s30+$0x10] =	vst v3;
	(pc) =	sbr.rel .LBB2_4-.Ltmp6, $4  }
0xd6: {  	[tilespmem:s1+$0x10] =	vst v2  }
0xd7: {  	[tilespmem:s16], [sflag:$0x1] =	stream.indirect.gather [hbm4b:s5+s14], $0x20, s15, s14, $0xb8;
	[tilespmem:$0x1B580] =	vst v63  }
0xd8: {  	s26 =	sadd.s32 $0x1, s26;
	s29 =	sadd.s32 $0xC80, s29;
	s28 =	sadd.s32 $0xC80, s28  }
0xd9: {  	[hbm4b:s3+s14] =	stream.indirect.scatter [tilespmem:s19], [sflag:$0x4], $0x20, s23, s14, $0xb8;
	[tilespmem:$0x1B580] =	vst v63  }
.LBB2_11:
0xda: {  	_ =	sfence.sel $0x180000  }
0xdb: {  	[bflag:$0x0] =	sbarrier.arrive $0xFFFF  }
0xdc: {  	_ =	strace $0x90000047  }
0xdd: {  	s0 =	stileid.u32;
	[bflag:$0x2] =	sbarrier.arrive $0xFFFF  }
0xde: {  	p0 =	sne.s32 s0, $0x0;
	s0 =	rddreg [dreg:$0x3]  }
0xdf: {  	s0 =	sadd.s32 @!p0 $0x100000, s0  }
0xe0: {  	[sflag:s0] =	ssyncadd.tile.s32 @!p0 $0x1;
	_ =	shalt  }
.Lfunc_end2:
_tile_overlayer_lowered:
.L_overlay_start_2:
0xe1: {  	(tag) =	ssettag $0x2  }
0xe2: {  	s0 =	rddreg [dreg:$0x0];
	s2 =	stileid.u32  }
0xe3: {  	s1 =	rddreg [dreg:$0x1];
	p0 =	sne.s32 s2, $0x0  }
0xe4: {  	s3 =	rddreg [dreg:$0x2];
	[bflag:$0x3] =	sbarrier.arrive $0xFFFF;
	s2 =	simm.s32 @!p0 $0x1C05  }
0xe5: {  	[timem:s3], [sflag:s2] =	dma.local @!p0 [hbm:s0], s1  }
0xe6: {  	s0 =	simm.s32 @!p0 $0x5  }
0xe7: {  	_ =	swait.ge @!p0 [sflag:s0], s1  }
0xe8: {  	s1 =	ssub.s32 @!p0 $0x0, s1;
	[sflag:s0] =	ssyncset.done @!p0 $0x0  }
0xe9: {  	[sflag:s0] =	ssyncadd.s32 @!p0 s1  }
0xea: {  	[bflag:$0x3] =	sbarrier.arrive $0xFFFF  }
0xeb: {  	_ =	shalt  }

// kernel: sparse-core-data-format-call.cloned.1.call-start
scs
called_computation_lowered:
.L_overlay_start_0:
0x0: {  	s2 =	sld [smem:$0x3FD9]  }
0x1: {  	s3 =	sld [smem:$0x3FFE];
	_ =	sdelay $0x1  }
0x2: {  	s1 =	srdreg.scid  }
0x3: {  	s0 =	sand.u32 $0x1, s1  }
0x4: {  	s18 =	sshll.u32 s0, $0xA;
	s2 =	sadd.s32 s3, s2  }
0x5: {  	s2 =	sadd.s32 s2, s18  }
0x6: {  	[smem:$0x3FC6] =	sst s2  }
0x7: {  	_ = 	snop  }
0x8: {  	s2 =	sld [smem:$0x3FD0];
	(tm) =	ssettm $0x1  }
0x9: {  	s19 =	sld [smem:$0x3FFB];
	_ =	sdelay $0x3  }
0xa: {  	_ =	strace s19  }
0xb: {  	s3 =	sld [smem:$0x3FFC];
	_ =	sdelay $0x3  }
0xc: {  	_ =	strace s3  }
0xd: {  	s3 =	sld [smem:$0x3FFD];
	_ =	sdelay $0x3  }
0xe: {  	_ =	strace s3  }
0xf: {  	_ =	strace $0x8FFFFFFF  }
0x10: {  	s20 =	sld [smem:$0x3FDB];
	_ =	sdelay $0x1  }
0x11: {  	s4 =	simm.s32 $_scs_section_size  }
0x12: {  	s5 =	simm.s32 $_size__tile_overlayer_lowered;
	s6 =	simm.s32 $_tile_overlayer_lowered  }
0x13: {  	s23 =	simm.s32 $0x1BFF;
	s22 =	sshll.u32 s6, $0x1;
	s3 =	sadd.s32 s4, s20  }
0x14: {  	s7 =	simm.s32 $0x0;
	s21 =	sshll.u32 s5, $0x1;
	s5 =	sadd.s32 s22, s3  }
0x15: {  	[timem:s7], [sflag:s23] =	dma.local [hbm:s5], s21  }
0x16: {  	_ =	swait.ge [sflag:s23], s21  }
0x17: {  	s4 =	ssub.s32 $0x0, s21;
	[sflag:s23] =	ssyncset.done $0x0  }
0x18: {  	[sflag:s23] =	ssyncadd.s32 s4;
	_ =	sdelay $0x1  }
0x19: {  	s24 =	simm.s32 $0x1B8B  }
0x1a: {  	_ =	swait.ge [sflag:s24], $0x1  }
0x1b: {  	[sflag:s24] =	ssyncset.done $0x0  }
0x1c: {  	s26 =	simm.s32 $0x1B8E;
	s25 =	sld [smem:$0x3FFE];
	[sflag:s24] =	ssyncadd.s32 $0xFFFFFFFF  }
0x1d: {  	s27 =	simm.s32 $execute0_lowered;
	[smem:$0x3FD2] =	sst s26  }
0x1e: {  	s5 =	sshll.u32 s27, $0x1;
	_ =	strace $0x80000049;
	[dreg:$0x1] =	wrdreg $0xFFFFFFFF  }
0x1f: {  	s28 =	simm.s32 $_size_execute0_lowered;
	s3 =	sadd.s32 s3, s5;
	[dreg:$0x0] =	wrdreg $0x0  }
0x20: {  	s5 =	sshll.u32 s28, $0x1;
	[dreg:$0x2] =	wrdreg s3  }
0x21: {  	[dreg:$0x3] =	wrdreg s5  }
0x22: {  	[dreg:$0x4] =	wrdreg $0xC0  }
0x23: {  	_ =	task [dreg:s7], $0x5FFFF  }
0x24: {  	[dreg:$0x1] =	wrdreg $0xFFFFFFFF  }
0x25: {  	[dreg:$0x0] =	wrdreg $0x60  }
0x26: {  	[dreg:$0x2] =	wrdreg s25  }
0x27: {  	[dreg:$0x3] =	wrdreg s2  }
0x28: {  	[dreg:$0x4] =	wrdreg $0x9  }
0x29: {  	_ =	task.clear_ibuf [dreg:s7], $0x5FFFF;
	_ =	strace $0x90000049  }
0x2a: {  	s29 =	simm.s32 $0x9;
	_ =	strace $0x8000004B  }
0x2b: {  	_ =	swait.ge [sflag:s29], $0x1  }
0x2c: {  	[sflag:s29] =	ssyncadd.s32 $0xFFFFFFFF  }
0x2d: {  	_ =	strace $0x9000004B  }
0x2e: {  	_ =	sfence  }
0x2f: {  	s30 =	sld [smem:$0x0];
	_ =	sdelay $0x2  }
0x30: {  	s31 =	sshll.u32 s1, $0xD;
	s1 =	sshrl.u32 s1, $0x2  }
0x31: {  	s3 =	sand.u32 $0x4000, s31;
	s1 =	sadd.s32 s1, s30  }
0x32: {  	s0 =	sor.u32 s3, s0;
	s1 =	sshll.u32 s1, $0x11  }
0x33: {  	s0 =	sor.u32 s1, s0  }
0x34: {  	s0 =	sadd.s32 $0x8F2B, s0  }
0x35: {  	[sflag:s0] =	ssyncadd.remote.s32 $0x1  }
0x36: {  	_ =	sfence.sel $0xFFFF  }
0x37: {  	[dreg:$0x0] =	wrdreg $0xFFFFFFFF;
	(pc) =	sbr.abs _section_cstart, $3  }
0x38: {  	[dreg:$0x1] =	wrdreg $0xFFFFFFFF  }
0x39: {  	_ =	task.clear_ibuf [dreg:s7], $0x2FFFF;
	_ =	strace $0x9FFFFFFF  }
0x3a: {  	(tm) =	ssettm $0x7FFFFFFF  }
0x3b: {  	_ =	shalt  }
tec
execute0_lowered:
.L_overlay_start_1:
0x0: {  	(tag) =	ssettag $0x1  }
0x1: {  	s0 =	srdreg.scid  }
0x2: {  	s1 =	sshll.u32 s0, $0x4  }
0x3: {  	s4 =	rddreg [dreg:$0x0];
	s0 =	stileid.u32;
	s1 =	sand.u32 $0x10, s1  }
0x4: {  	s2 =	rddreg [dreg:$0x1];
	s7 =	simm.s32 $0x1;
	s1 =	sor.u32 s0, s1  }
0x5: {  	s8 =	simm.s32 $0x2;
	s11 =	simm.s32 $0x0;
	s3 =	sshll.u32 s1, $0x7  }
0x6: {  	s10 =	simm.s32 $0x0;
	s4 =	sadd.s32 $0x800, s4;
	s6 =	ssub.s32 $0xC8000, s3  }
.Ltmp0:
0x7: {  	s1 =	rddreg [dreg:$0x2];
	s5 =	sand.u32 $0xF80, s6;
	(pc) =	sbr.rel .LBB1_1-.Ltmp0, $4  }
0x8: {  	_ =	strace $0x8000004A;
	s9 =	smov.u32 s3;
	p0 =	sne.s32 s5, $0x0  }
0x9: {  	s6 =	sshrl.u32 s6, $0xC;
	s5 =	simm.s32 $0x1;
	s7 =	simm.s32 @!p0 $0x0  }
0xa: {  	[sflag:s5] =	ssyncpa.u1 $0x0;
	p0 =	por $0x0, $0x0;
	s6 =	sadd.s32 s7, s6  }
0xb: {  	[sflag:s8] =	ssyncpa.u1 $0x0;
	s8 =	simm.s32 $0x640000;
	s7 =	sadd.s32 $0x1, s6  }
.LBB1_4:
0xc: {  	s14 =	sshll.u32 s11, $0x3  }
0xd: {  	s30 =	sand.u32 $0x7F, s11;
	s15 =	sand.u32 $0xFFFFFC00, s14  }
0xe: {  	s11 =	sor.u32 s30, s15  }
0xf: {  	s15 =	smulhi.u32 $0x51EB851F, s11  }
0x10: {  	s14 =	smulhi.u32 $0x51EB851F, s14  }
0x11: {  	s15 =	sshrl.u32 s15, $0x12  }
0x12: {  	s14 =	sshrl.u32 s14, $0x12;
	s15 =	smul.u32 $0xC8000, s15  }
0x13: {  	s14 =	sand.u32 $0x1F, s14  }
0x14: {  	s14 =	smul.u32 $0x19000, s14;
	s11 =	ssub.s32 s11, s15  }
0x15: {  	s15 =	sand.u32 $0x7, s11  }
0x16: {  	s14 =	sadd.s32 s2, s14;
	s11 =	sshrl.u32 s11, $0x3;
	s15 =	sshll.u32 s15, $0x12  }
0x17: {  	[tilespmem:s13+$0x0 ss:$0x81] =	vst.msk $0xffff, v0;
	s11 =	sadd.s32 s11, s14;
	s31 =	sor.u32 $0x400, s15  }
0x18: {  	[hbm4b:s11+s31] =	stream.strided.scatter [tilespmem:s12], [sflag:$0x2], $0x1000, s8, s31, $0x20;
	[tilespmem:$0x4040] =	vst v63  }
.LBB1_5:
0x19: {  	s13 =	sadd.s32 $0x1000, s9  }
0x1a: {  	p2 =	sgt.s32 s13, $0xC7FFF  }
0x1b: {  	s13 =	smov.u32 @p2 s3;
	p2 =	sne.s32 s10, s7  }
.Ltmp1:
0x1c: {  	p1 =	slt.u32 s10, $0x2;
	(pc) =	sbr.rel @!p2 .LBB1_6-.Ltmp1, $4  }
0x1d: {  	s12 =	simm.s32 @!p1 $0x2  }
0x1e: {  	s14 =	sadd.s32 $0x1, s10;
	_ =	swait.ge @!p1 [sflag:s12], $0x1000  }
0x1f: {  	s11 =	smov.u32 s9;
	p0 =	por !p0, !p0;
	[sflag:s12] =	ssyncset.done @!p1 $0x0  }
0x20: {  	s10 =	smov.u32 s14;
	s9 =	smov.u32 s13;
	[sflag:s12] =	ssyncadd.s32 @!p1 $0xFFFFF000  }
.LBB1_1:
0x21: {  	p1 =	sge.u32 s10, s6  }
0x22: {  	s12 =	sand.u32 @!p1 $0x1FFFFFF, s9  }
0x23: {  	s13 =	smulhi.u32 @!p1 $0x147AE15, s12;
	_ =	sdelay $0x1  }
0x24: {  	s13 =	sshrl.u32 @!p1 s13, $0xC  }
0x25: {  	s13 =	smul.u32 @!p1 $0xC8000, s13;
	_ =	sdelay $0x1  }
0x26: {  	s31 =	sadd.s32 $0xFFFFFFFF, s10;
	s14 =	sxor.u32 @!p1 $0xFFFFFFFF, s10;
	s12 =	ssub.s32 @!p1 s12, s13  }
0x27: {  	s15 =	simm.s32 @!p1 $0x80;
	s14 =	sshll.u32 @!p1 s14, $0xC;
	s12 =	sshll.u32 @!p1 s12, $0x4  }
0x28: {  	s13 =	sand.u32 @!p1 $0x1000, s14;
	s14 =	simm.s32 @!p1 $0x20;
	s12 =	sadd.s32 @!p1 s4, s12  }
0x29: {  	[tilespmem:s13], [sflag:$0x1] =	stream.strided.gather @!p1 [hbm4b:s12+s14], $0x1000, s15, s14, $0x38;
	[tilespmem:$0x4040] =	vst v63  }
0x2a: {  	p1 =	sge.u32 s31, s6  }
.Ltmp2:
0x2b: {  	_ = 	snop;
	(pc) =	sbr.rel @p1 .LBB1_5-.Ltmp2, $1  }
0x2c: {  	_ =	sdelay $0x3  }
0x2d: {  	s12 =	simm.s32 $0x1  }
0x2e: {  	_ =	swait.ge [sflag:s5], $0x1000;
	s12 =	simm.s32 @!p0 $0x0  }
0x2f: {  	[sflag:s5] =	ssyncset.done $0x0;
	s13 =	sshll.u32 s12, $0xC  }
0x30: {  	[sflag:s5] =	ssyncadd.s32 $0xFFFFF000;
	s16 =	sor.u32 $0x10, s13  }
0x31: {  	s12 =	smul.u32 $0x4080, s12;
	v1 =	vld [tilespmem:s16+$0x0]  }
0x32: {  	s30 =	sand.u32 $0x1, s10;
	v0 =	vld [tilespmem:s16+$0xFFFFFFF0]  }
0x33: {  	s13 =	smul.u32 $0x4080, s30;
	s12 =	sshrl.u32 s12, $0x2  }
0x34: {  	s14 =	sor.u32 $0x2000, s12  }
0x35: {  	s31 =	sshrl.u32 s13, $0x2;
	s13 =	sadd.s32 $0x0, s14  }
0x36: {  	s15 =	simm.s32 $0x4;
	s16 =	sadd.s32 $0x20, s16;
	s12 =	sor.u32 $0x2000, s31;
	[tilespmem:s13+$0x810 ss:$0x81] =	vst.msk $0xffff, v1  }
.LBB1_3:
0x37: {  	v1 =	vld [tilespmem:s16+$0x0];
	p1 =	sne.s32 s15, $0x1FC;
	[tilespmem:s13+$0x0 ss:$0x81] =	vst.msk $0xffff, v0;
	s13 =	smov.u32 s15;
	s15 =	sadd.s32 $0x4, s15  }
.Ltmp3:
0x38: {  	v0 =	vld [tilespmem:s16+$0xFFFFFFF0];
	(pc) =	sbr.rel @p1 .LBB1_3-.Ltmp3, $4  }
0x39: {  	_ = 	snop  }
0x3a: {  	s13 =	sshra.s32 s13, $0x2  }
0x3b: {  	s13 =	sadd.s32 s13, s14  }
0x3c: {  	s16 =	sadd.s32 $0x20, s16;
	[tilespmem:s13+$0x810 ss:$0x81] =	vst.msk $0xffff, v1  }
.Ltmp4:
0x3d: {  	_ = 	snop;
	(pc) =	sbr.rel .LBB1_4-.Ltmp4, $1  }
0x3e: {  	_ =	sdelay $0x3  }
.LBB1_6:
0x3f: {  	_ =	sfence.sel $0x180000  }
0x40: {  	s2 =	simm.s32 $0x1;
	[bflag:$0x0] =	sbarrier.arrive $0xFFFF  }
0x41: {  	s31 =	simm.s32 $0x2;
	[sflag:s2] =	ssyncpa.u1 $0x1  }
0x42: {  	[sflag:s31] =	ssyncpa.u1 $0x1  }
0x43: {  	p0 =	sne.s32 s0, $0x0;
	_ =	strace $0x9000004A  }
0x44: {  	s0 =	sadd.s32 @!p0 $0x100000, s1;
	[bflag:$0x2] =	sbarrier.arrive $0xFFFF  }
0x45: {  	[sflag:s0] =	ssyncadd.tile.s32 @!p0 $0x1;
	_ =	shalt  }
.Lfunc_end1:
_tile_overlayer_lowered:
.L_overlay_start_2:
0x46: {  	(tag) =	ssettag $0x2  }
0x47: {  	s0 =	rddreg [dreg:$0x0];
	s2 =	stileid.u32  }
0x48: {  	s1 =	rddreg [dreg:$0x1];
	p0 =	sne.s32 s2, $0x0  }
0x49: {  	s3 =	rddreg [dreg:$0x2];
	[bflag:$0x3] =	sbarrier.arrive $0xFFFF;
	s2 =	simm.s32 @!p0 $0x1C01  }
0x4a: {  	[timem:s3], [sflag:s2] =	dma.local @!p0 [hbm:s0], s1  }
0x4b: {  	s0 =	simm.s32 @!p0 $0x1  }
0x4c: {  	_ =	swait.ge @!p0 [sflag:s0], s1  }
0x4d: {  	s1 =	ssub.s32 @!p0 $0x0, s1;
	[sflag:s0] =	ssyncset.done @!p0 $0x0  }
0x4e: {  	[sflag:s0] =	ssyncadd.s32 @!p0 s1  }
0x4f: {  	[bflag:$0x3] =	sbarrier.arrive $0xFFFF  }
0x50: {  	_ =	shalt  }

</sc_bundles>
